<compile_context>
chip_gen: v7x
topology: tpu7x:2x2x1
jax: 0.10.2.dev20260603
libtpu: 0.0.44.dev20260713+nightly
codegen_flags: <defaults>
</compile_context>

<pallas_src>
import jax
import jax.numpy as jnp
from jax.experimental import pallas as pl

B = 16384
D = 32
K = 64
ALPHA = 0.1
REG_W = 1e-5


def _ustats_body(ut_ref, o_ref):
    ut = ut_ref[...]
    uu = jnp.sum(ut * ut, axis=0, keepdims=True)
    reg_u = jnp.sum(uu)
    w = 1.0 / jnp.maximum(jnp.sqrt(uu), 1e-12)
    sumfeat = jnp.sum(ut * w, axis=1, keepdims=True)
    sumfeatsq = jnp.sum(uu * w * w)
    o_ref[...] = jnp.concatenate(
        [jnp.reshape(reg_u, (1, 1)),
         jnp.reshape(sumfeatsq, (1, 1)),
         jnp.reshape(sumfeat, (1, D)),
         jnp.zeros((1, 128 - 2 - D), jnp.float32)], axis=1)


def _final_body(ut_ref, pnt_ref, us_ref, ct_ref, o_ref):
    ut = ut_ref[...]
    pt = pnt_ref[:, :B]
    nt = pnt_ref[:, B:]
    us = us_ref[...]
    ct = ct_ref[...]
    delta = jnp.sum(ut * (pt - nt), axis=0, keepdims=True)
    sig = jnp.where(delta >= 0.0,
                    1.0 / (1.0 + jnp.exp(-delta)),
                    jnp.exp(delta) / (1.0 + jnp.exp(delta)))
    bpr_sum = jnp.sum(jnp.log(sig + 1e-8))
    reg_sum = us[:, 0:1] + jnp.sum(pt * pt) + jnp.sum(nt * nt)
    sumfeatsq = us[:, 1:2]
    sumfeat = us[:, 2:2 + D]
    cw = 1.0 / jnp.maximum(jnp.sqrt(jnp.sum(ct * ct, axis=0, keepdims=True)),
                           1e-12)
    cb = ct * cw
    s_cc = jnp.sum(cb * cb)
    sum_cb = jnp.reshape(jnp.sum(cb, axis=1, keepdims=True), (1, D))
    sdl = sumfeatsq / B + s_cc / K - (2.0 / (B * K)) * jnp.sum(sumfeat * sum_cb)
    com = (2.0 * K * s_cc - 2.0 * jnp.sum(sum_cb * sum_cb)) / (K * (K - 1))
    o_ref[...] = -bpr_sum / B + ALPHA * (sdl - com) + REG_W * reg_sum


def _rows(table, idx):
    dnums = jax.lax.GatherDimensionNumbers(
        offset_dims=(1,), collapsed_slice_dims=(0,), start_index_map=(0,))
    return jax.lax.gather(
        table, idx[:, None], dnums, slice_sizes=(1, table.shape[1]),
        mode=jax.lax.GatherScatterMode.PROMISE_IN_BOUNDS)


def kernel(uid, src_ids, pos_ids, neg_ids, src_user_emb, src_item_emb, src_clusters):
    del src_ids
    pn = _rows(src_item_emb, jnp.concatenate([pos_ids, neg_ids]))
    u = _rows(src_user_emb, uid)
    ut = u.T
    ustats = pl.pallas_call(
        _ustats_body,
        out_shape=jax.ShapeDtypeStruct((1, 128), jnp.float32),
    )(ut)
    out = pl.pallas_call(
        _final_body,
        out_shape=jax.ShapeDtypeStruct((1, 1), jnp.float32),
    )(ut, pn.T, ustats, src_clusters.T)
    return out[0, 0]

# --- scband reference (transcript-rebuilt; emitter-appended) ---
"""Pipeline reference for scband-cgcdr-3813930959303 (READ-ONLY COPY).

The authoritative reference and input builder live on the scoring server;
editing this copy changes nothing except your own understanding.
"""

import jax, jax.numpy as jnp
import numpy as np

NUM_USERS = 1000000
NUM_ITEMS = 1000000
EMB_DIM = 32
NUM_CLUSTERS = 64
BATCH = 16384
HIST = 50


def _pairwise_sq_dist(x, c):
    xx = jnp.sum(x * x, axis=-1)[:, None]
    cc = jnp.sum(c * c, axis=-1)[None, :]
    return xx + cc - 2.0 * (x @ c.T)


def setup_inputs(seed: int = 0):
    key = jax.random.key(seed)
    ks = jax.random.split(key, 8)
    uid = jax.random.randint(ks[0], (BATCH,), 0, NUM_USERS)
    src_ids = jax.random.randint(ks[1], (BATCH, HIST), 0, NUM_ITEMS)
    pos_ids = jax.random.randint(ks[2], (BATCH,), 0, NUM_ITEMS)
    neg_ids = jax.random.randint(ks[3], (BATCH,), 0, NUM_ITEMS)
    src_user_emb = jax.random.normal(ks[4], (NUM_USERS, EMB_DIM), dtype=jnp.float32) * 0.05
    src_item_emb = jax.random.normal(ks[5], (NUM_ITEMS, EMB_DIM), dtype=jnp.float32) * 0.05
    src_clusters = jax.random.normal(ks[6], (NUM_CLUSTERS, EMB_DIM), dtype=jnp.float32)
    return {
        'uid': uid,
        'src_ids': src_ids,
        'pos_ids': pos_ids,
        'neg_ids': neg_ids,
        'src_user_emb': src_user_emb,
        'src_item_emb': src_item_emb,
        'src_clusters': src_clusters,
    }


def reference(uid, src_ids, pos_ids, neg_ids, src_user_emb, src_item_emb, src_clusters):
    # stage='train_src' path: _step_domain(domain='src', train=True)
    alpha = 0.1
    reg_weight = 1e-05
    # embedding lookups (gather)
    u_base = jnp.take(src_user_emb, uid, axis=0)
    pos_emb = jnp.take(src_item_emb, pos_ids, axis=0)
    neg_emb = jnp.take(src_item_emb, neg_ids, axis=0)
    pos_score = jnp.sum(u_base * pos_emb, axis=1)
    neg_score = jnp.sum(u_base * neg_emb, axis=1)
    bpr = -jnp.mean(jnp.log(jax.nn.sigmoid(pos_score - neg_score) + 1e-08))
    # cluster loss (F.normalize uses eps=1e-12 clamp on denominator)
    feats = u_base / jnp.maximum(jnp.linalg.norm(u_base, axis=1, keepdims=True), 1e-12)
    centers = src_clusters / jnp.maximum(jnp.linalg.norm(src_clusters, axis=1, keepdims=True), 1e-12)
    d = _pairwise_sq_dist(feats, centers)
    sample_distance_loss = jnp.mean(d)
    cdist = _pairwise_sq_dist(centers, centers)
    K = centers.shape[0]
    offdiag = ~jnp.eye(K, dtype=bool)
    center_offdiag_mean = jnp.sum(jnp.where(offdiag, cdist, 0.0)) / (K * (K - 1))
    cluster_loss = alpha * (sample_distance_loss - center_offdiag_mean)
    # reg loss: sum of squared L2 norms
    reg = reg_weight * (jnp.sum(u_base * u_base) + jnp.sum(pos_emb * pos_emb) + jnp.sum(neg_emb * neg_emb))
    return bpr + cluster_loss + reg


if False:  # reference __main__ guard neutralized (emitter)
    out = reference(**setup_inputs())
    print(out)

if __name__ == "__main__":
    import jax
    _d = setup_inputs()
    print(jax.jit(kernel)(*tuple(_d.values())))

</pallas_src>

<mosaic_0001>
module attributes {stable_mosaic.version = 14 : i64} {
  func.func @_ustats_body(%arg0: memref<32x16384xf32, #tpu.memory_space<vmem>>, %arg1: memref<1x128xf32, #tpu.memory_space<vmem>>) attributes {dimension_semantics = [], scalar_prefetch = 0 : i64, scratch_operands = 0 : i64, tpu.core_type = #tpu.core_type<tc>} {
    %get3A = arith.constant 0 : index
    %get3A_0 = arith.constant 0 : index
    %get3A_1 = vector.load %arg0[%get3A, %get3A_0] : memref<32x16384xf32, #tpu.memory_space<vmem>>, vector<32x16384xf32>
    %mul3A = arith.mulf %get3A_1, %get3A_1 : vector<32x16384xf32>
    %reduce_sum3A = arith.constant dense<0.000000e+00> : vector<16384xf32>
    %reduce_sum3A_2 = vector.multi_reduction <add>, %mul3A, %reduce_sum3A [0] : vector<32x16384xf32> to vector<16384xf32>
    %broadcast_in_dim3A = vector.shape_cast %reduce_sum3A_2 : vector<16384xf32> to vector<1x16384xf32>
    %reduce_sum3A_3 = vector.shape_cast %broadcast_in_dim3A : vector<1x16384xf32> to vector<1x1x16384xf32>
    %reduce_sum3A_4 = arith.constant dense<0.000000e+00> : vector<1xf32>
    %reduce_sum3A_5 = vector.multi_reduction <add>, %reduce_sum3A_3, %reduce_sum3A_4 [1, 2] : vector<1x1x16384xf32> to vector<1xf32>
    %reduce_sum3A_6 = vector.shape_cast %reduce_sum3A_5 : vector<1xf32> to vector<1x1x1xf32>
    %reduce_sum3A_7 = vector.extract %reduce_sum3A_6[0, 0, 0] : f32 from vector<1x1x1xf32>
    %sqrt3A = math.sqrt %broadcast_in_dim3A : vector<1x16384xf32>
    %max3A = arith.constant 9.99999996E-13 : f32
    %max3A_8 = vector.broadcast %max3A : f32 to vector<1x16384xf32>
    %max3A_9 = arith.maximumf %sqrt3A, %max3A_8 : vector<1x16384xf32>
    %div3A = arith.constant 1.000000e+00 : f32
    %div3A_10 = vector.broadcast %div3A : f32 to vector<1x16384xf32>
    %div3A_11 = arith.divf %div3A_10, %max3A_9 : vector<1x16384xf32>
    %mul3A_12 = vector.broadcast %div3A_11 : vector<1x16384xf32> to vector<32x16384xf32>
    %mul3A_13 = arith.mulf %get3A_1, %mul3A_12 : vector<32x16384xf32>
    %reduce_sum3A_14 = arith.constant dense<0.000000e+00> : vector<32xf32>
    %reduce_sum3A_15 = vector.multi_reduction <add>, %mul3A_13, %reduce_sum3A_14 [1] : vector<32x16384xf32> to vector<32xf32>
    %broadcast_in_dim3A_16 = vector.shape_cast %reduce_sum3A_15 : vector<32xf32> to vector<32x1xf32>
    %mul3A_17 = arith.mulf %broadcast_in_dim3A, %div3A_11 : vector<1x16384xf32>
    %mul3A_18 = arith.mulf %mul3A_17, %div3A_11 : vector<1x16384xf32>
    %reduce_sum3A_19 = vector.shape_cast %mul3A_18 : vector<1x16384xf32> to vector<1x1x16384xf32>
    %reduce_sum3A_20 = arith.constant dense<0.000000e+00> : vector<1xf32>
    %reduce_sum3A_21 = vector.multi_reduction <add>, %reduce_sum3A_19, %reduce_sum3A_20 [1, 2] : vector<1x1x16384xf32> to vector<1xf32>
    %reduce_sum3A_22 = vector.shape_cast %reduce_sum3A_21 : vector<1xf32> to vector<1x1x1xf32>
    %reduce_sum3A_23 = vector.extract %reduce_sum3A_22[0, 0, 0] : f32 from vector<1x1x1xf32>
    %reshape3A = vector.broadcast %reduce_sum3A_7 : f32 to vector<1x1xf32>
    %reshape3A_24 = vector.broadcast %reduce_sum3A_23 : f32 to vector<1x1xf32>
    %reshape3A_25 = vector.shape_cast %broadcast_in_dim3A_16 : vector<32x1xf32> to vector<1x32xf32>
    %broadcast_in_dim3A_26 = arith.constant 0.000000e+00 : f32
    %broadcast_in_dim3A_27 = vector.broadcast %broadcast_in_dim3A_26 : f32 to vector<1x94xf32>
    %concatenate3A = tpu.concatenate %reshape3A, %reshape3A_24, %reshape3A_25, %broadcast_in_dim3A_27 in 1 : vector<1x1xf32>, vector<1x1xf32>, vector<1x32xf32>, vector<1x94xf32> -> vector<1x128xf32>
    %swap3A = arith.constant 0 : index
    %swap3A_28 = arith.constant 0 : index
    %swap3A_29 = vector.load %arg1[%swap3A, %swap3A_28] : memref<1x128xf32, #tpu.memory_space<vmem>>, vector<1x128xf32>
    tpu.vector_store %arg1[%swap3A, %swap3A_28], %concatenate3A {strides = array<i32>} : memref<1x128xf32, #tpu.memory_space<vmem>>, vector<1x128xf32>,
    return
  }
}

module attributes {stable_mosaic.version = 14 : i64} {
  func.func @_final_body(%arg0: memref<32x16384xf32, #tpu.memory_space<vmem>>, %arg1: memref<32x32768xf32, #tpu.memory_space<vmem>>, %arg2: memref<1x128xf32, #tpu.memory_space<vmem>>, %arg3: memref<32x64xf32, #tpu.memory_space<vmem>>, %arg4: memref<1x1xf32, #tpu.memory_space<vmem>>) attributes {dimension_semantics = [], scalar_prefetch = 0 : i64, scratch_operands = 0 : i64, tpu.core_type = #tpu.core_type<tc>} {
    %get3A = arith.constant 0 : index
    %get3A_0 = arith.constant 0 : index
    %get3A_1 = vector.load %arg0[%get3A, %get3A_0] : memref<32x16384xf32, #tpu.memory_space<vmem>>, vector<32x16384xf32>
    %get3A_2 = arith.constant 0 : index
    %get3A_3 = arith.constant 0 : index
    %get3A_4 = vector.load %arg1[%get3A_2, %get3A_3] : memref<32x32768xf32, #tpu.memory_space<vmem>>, vector<32x16384xf32>
    %get3A_5 = arith.constant 0 : index
    %get3A_6 = arith.constant 16384 : index
    %get3A_7 = vector.load %arg1[%get3A_5, %get3A_6] : memref<32x32768xf32, #tpu.memory_space<vmem>>, vector<32x16384xf32>
    %get3A_8 = arith.constant 0 : index
    %get3A_9 = arith.constant 0 : index
    %get3A_10 = vector.load %arg2[%get3A_8, %get3A_9] : memref<1x128xf32, #tpu.memory_space<vmem>>, vector<1x128xf32>
    %get3A_11 = arith.constant 0 : index
    %get3A_12 = arith.constant 0 : index
    %get3A_13 = vector.load %arg3[%get3A_11, %get3A_12] : memref<32x64xf32, #tpu.memory_space<vmem>>, vector<32x64xf32>
    %sub3A = arith.subf %get3A_4, %get3A_7 : vector<32x16384xf32>
    %mul3A = arith.mulf %get3A_1, %sub3A : vector<32x16384xf32>
    %reduce_sum3A = arith.constant dense<0.000000e+00> : vector<16384xf32>
    %reduce_sum3A_14 = vector.multi_reduction <add>, %mul3A, %reduce_sum3A [0] : vector<32x16384xf32> to vector<16384xf32>
    %broadcast_in_dim3A = vector.shape_cast %reduce_sum3A_14 : vector<16384xf32> to vector<1x16384xf32>
    %ge3A = arith.constant 0.000000e+00 : f32
    %ge3A_15 = vector.broadcast %ge3A : f32 to vector<1x16384xf32>
    %ge3A_16 = arith.cmpf oge, %broadcast_in_dim3A, %ge3A_15 : vector<1x16384xf32>
    %neg3A = arith.constant 0.000000e+00 : f32
    %neg3A_17 = vector.broadcast %neg3A : f32 to vector<1x16384xf32>
    %neg3A_18 = arith.subf %neg3A_17, %broadcast_in_dim3A : vector<1x16384xf32>
    %exp3A = math.exp %neg3A_18 : vector<1x16384xf32>
    %add3A = arith.constant 1.000000e+00 : f32
    %add3A_19 = vector.broadcast %add3A : f32 to vector<1x16384xf32>
    %add3A_20 = arith.addf %add3A_19, %exp3A : vector<1x16384xf32>
    %div3A = arith.constant 1.000000e+00 : f32
    %div3A_21 = vector.broadcast %div3A : f32 to vector<1x16384xf32>
    %div3A_22 = arith.divf %div3A_21, %add3A_20 : vector<1x16384xf32>
    %exp3A_23 = math.exp %broadcast_in_dim3A : vector<1x16384xf32>
    %exp3A_24 = math.exp %broadcast_in_dim3A : vector<1x16384xf32>
    %add3A_25 = arith.constant 1.000000e+00 : f32
    %add3A_26 = vector.broadcast %add3A_25 : f32 to vector<1x16384xf32>
    %add3A_27 = arith.addf %add3A_26, %exp3A_24 : vector<1x16384xf32>
    %div3A_28 = arith.divf %exp3A_23, %add3A_27 : vector<1x16384xf32>
    %select_n3A = arith.select %ge3A_16, %div3A_22, %div3A_28 : vector<1x16384xi1>, vector<1x16384xf32>
    %add3A_29 = arith.constant 9.99999993E-9 : f32
    %add3A_30 = vector.broadcast %add3A_29 : f32 to vector<1x16384xf32>
    %add3A_31 = arith.addf %select_n3A, %add3A_30 : vector<1x16384xf32>
    %log3A = math.log %add3A_31 : vector<1x16384xf32>
    %reduce_sum3A_32 = vector.shape_cast %log3A : vector<1x16384xf32> to vector<1x1x16384xf32>
    %reduce_sum3A_33 = arith.constant dense<0.000000e+00> : vector<1xf32>
    %reduce_sum3A_34 = vector.multi_reduction <add>, %reduce_sum3A_32, %reduce_sum3A_33 [1, 2] : vector<1x1x16384xf32> to vector<1xf32>
    %reduce_sum3A_35 = vector.shape_cast %reduce_sum3A_34 : vector<1xf32> to vector<1x1x1xf32>
    %reduce_sum3A_36 = vector.extract %reduce_sum3A_35[0, 0, 0] : f32 from vector<1x1x1xf32>
    %slice3A = vector.extract_strided_slice %get3A_10 {offsets = [0, 0], sizes = [1, 1], strides = [1, 1]} : vector<1x128xf32> to vector<1x1xf32>
    %mul3A_37 = arith.mulf %get3A_4, %get3A_4 : vector<32x16384xf32>
    %reduce_sum3A_38 = vector.shape_cast %mul3A_37 : vector<32x16384xf32> to vector<1x32x16384xf32>
    %reduce_sum3A_39 = arith.constant dense<0.000000e+00> : vector<1xf32>
    %reduce_sum3A_40 = vector.multi_reduction <add>, %reduce_sum3A_38, %reduce_sum3A_39 [1, 2] : vector<1x32x16384xf32> to vector<1xf32>
    %reduce_sum3A_41 = vector.shape_cast %reduce_sum3A_40 : vector<1xf32> to vector<1x1x1xf32>
    %reduce_sum3A_42 = vector.extract %reduce_sum3A_41[0, 0, 0] : f32 from vector<1x1x1xf32>
    %add3A_43 = vector.broadcast %reduce_sum3A_42 : f32 to vector<1x1xf32>
    %add3A_44 = arith.addf %slice3A, %add3A_43 : vector<1x1xf32>
    %mul3A_45 = arith.mulf %get3A_7, %get3A_7 : vector<32x16384xf32>
    %reduce_sum3A_46 = vector.shape_cast %mul3A_45 : vector<32x16384xf32> to vector<1x32x16384xf32>
    %reduce_sum3A_47 = arith.constant dense<0.000000e+00> : vector<1xf32>
    %reduce_sum3A_48 = vector.multi_reduction <add>, %reduce_sum3A_46, %reduce_sum3A_47 [1, 2] : vector<1x32x16384xf32> to vector<1xf32>
    %reduce_sum3A_49 = vector.shape_cast %reduce_sum3A_48 : vector<1xf32> to vector<1x1x1xf32>
    %reduce_sum3A_50 = vector.extract %reduce_sum3A_49[0, 0, 0] : f32 from vector<1x1x1xf32>
    %add3A_51 = vector.broadcast %reduce_sum3A_50 : f32 to vector<1x1xf32>
    %add3A_52 = arith.addf %add3A_44, %add3A_51 : vector<1x1xf32>
    %slice3A_53 = vector.extract_strided_slice %get3A_10 {offsets = [0, 1], sizes = [1, 1], strides = [1, 1]} : vector<1x128xf32> to vector<1x1xf32>
    %slice3A_54 = vector.extract_strided_slice %get3A_10 {offsets = [0, 2], sizes = [1, 32], strides = [1, 1]} : vector<1x128xf32> to vector<1x32xf32>
    %mul3A_55 = arith.mulf %get3A_13, %get3A_13 : vector<32x64xf32>
    %reduce_sum3A_56 = arith.constant dense<0.000000e+00> : vector<64xf32>
    %reduce_sum3A_57 = vector.multi_reduction <add>, %mul3A_55, %reduce_sum3A_56 [0] : vector<32x64xf32> to vector<64xf32>
    %broadcast_in_dim3A_58 = vector.shape_cast %reduce_sum3A_57 : vector<64xf32> to vector<1x64xf32>
    %sqrt3A = math.sqrt %broadcast_in_dim3A_58 : vector<1x64xf32>
    %max3A = arith.constant 9.99999996E-13 : f32
    %max3A_59 = vector.broadcast %max3A : f32 to vector<1x64xf32>
    %max3A_60 = arith.maximumf %sqrt3A, %max3A_59 : vector<1x64xf32>
    %div3A_61 = arith.constant 1.000000e+00 : f32
    %div3A_62 = vector.broadcast %div3A_61 : f32 to vector<1x64xf32>
    %div3A_63 = arith.divf %div3A_62, %max3A_60 : vector<1x64xf32>
    %mul3A_64 = vector.broadcast %div3A_63 : vector<1x64xf32> to vector<32x64xf32>
    %mul3A_65 = arith.mulf %get3A_13, %mul3A_64 : vector<32x64xf32>
    %mul3A_66 = arith.mulf %mul3A_65, %mul3A_65 : vector<32x64xf32>
    %reduce_sum3A_67 = vector.shape_cast %mul3A_66 : vector<32x64xf32> to vector<1x32x64xf32>
    %reduce_sum3A_68 = arith.constant dense<0.000000e+00> : vector<1xf32>
    %reduce_sum3A_69 = vector.multi_reduction <add>, %reduce_sum3A_67, %reduce_sum3A_68 [1, 2] : vector<1x32x64xf32> to vector<1xf32>
    %reduce_sum3A_70 = vector.shape_cast %reduce_sum3A_69 : vector<1xf32> to vector<1x1x1xf32>
    %reduce_sum3A_71 = vector.extract %reduce_sum3A_70[0, 0, 0] : f32 from vector<1x1x1xf32>
    %reduce_sum3A_72 = arith.constant dense<0.000000e+00> : vector<32xf32>
    %reduce_sum3A_73 = vector.multi_reduction <add>, %mul3A_65, %reduce_sum3A_72 [1] : vector<32x64xf32> to vector<32xf32>
    %broadcast_in_dim3A_74 = vector.shape_cast %reduce_sum3A_73 : vector<32xf32> to vector<32x1xf32>
    %reshape3A = vector.shape_cast %broadcast_in_dim3A_74 : vector<32x1xf32> to vector<1x32xf32>
    %div3A_75 = arith.constant 1.638400e+04 : f32
    %div3A_76 = vector.broadcast %div3A_75 : f32 to vector<1x1xf32>
    %div3A_77 = arith.divf %slice3A_53, %div3A_76 : vector<1x1xf32>
    %div3A_78 = arith.constant 6.400000e+01 : f32
    %div3A_79 = arith.divf %reduce_sum3A_71, %div3A_78 : f32
    %add3A_80 = vector.broadcast %div3A_79 : f32 to vector<1x1xf32>
    %add3A_81 = arith.addf %div3A_77, %add3A_80 : vector<1x1xf32>
    %mul3A_82 = arith.mulf %slice3A_54, %reshape3A : vector<1x32xf32>
    %reduce_sum3A_83 = vector.shape_cast %mul3A_82 : vector<1x32xf32> to vector<1x1x32xf32>
    %reduce_sum3A_84 = arith.constant dense<0.000000e+00> : vector<1xf32>
    %reduce_sum3A_85 = vector.multi_reduction <add>, %reduce_sum3A_83, %reduce_sum3A_84 [1, 2] : vector<1x1x32xf32> to vector<1xf32>
    %reduce_sum3A_86 = vector.shape_cast %reduce_sum3A_85 : vector<1xf32> to vector<1x1x1xf32>
    %reduce_sum3A_87 = vector.extract %reduce_sum3A_86[0, 0, 0] : f32 from vector<1x1x1xf32>
    %mul3A_88 = arith.constant 1.90734863E-6 : f32
    %mul3A_89 = arith.mulf %mul3A_88, %reduce_sum3A_87 : f32
    %sub3A_90 = vector.broadcast %mul3A_89 : f32 to vector<1x1xf32>
    %sub3A_91 = arith.subf %add3A_81, %sub3A_90 : vector<1x1xf32>
    %mul3A_92 = arith.constant 1.280000e+02 : f32
    %mul3A_93 = arith.mulf %mul3A_92, %reduce_sum3A_71 : f32
    %mul3A_94 = arith.mulf %reshape3A, %reshape3A : vector<1x32xf32>
    %reduce_sum3A_95 = vector.shape_cast %mul3A_94 : vector<1x32xf32> to vector<1x1x32xf32>
    %reduce_sum3A_96 = arith.constant dense<0.000000e+00> : vector<1xf32>
    %reduce_sum3A_97 = vector.multi_reduction <add>, %reduce_sum3A_95, %reduce_sum3A_96 [1, 2] : vector<1x1x32xf32> to vector<1xf32>
    %reduce_sum3A_98 = vector.shape_cast %reduce_sum3A_97 : vector<1xf32> to vector<1x1x1xf32>
    %reduce_sum3A_99 = vector.extract %reduce_sum3A_98[0, 0, 0] : f32 from vector<1x1x1xf32>
    %mul3A_100 = arith.constant 2.000000e+00 : f32
    %mul3A_101 = arith.mulf %mul3A_100, %reduce_sum3A_99 : f32
    %sub3A_102 = arith.subf %mul3A_93, %mul3A_101 : f32
    %div3A_103 = arith.constant 4.032000e+03 : f32
    %div3A_104 = arith.divf %sub3A_102, %div3A_103 : f32
    %neg3A_105 = arith.constant 0.000000e+00 : f32
    %neg3A_106 = arith.subf %neg3A_105, %reduce_sum3A_36 : f32
    %div3A_107 = arith.constant 1.638400e+04 : f32
    %div3A_108 = arith.divf %neg3A_106, %div3A_107 : f32
    %sub3A_109 = vector.broadcast %div3A_104 : f32 to vector<1x1xf32>
    %sub3A_110 = arith.subf %sub3A_91, %sub3A_109 : vector<1x1xf32>
    %mul3A_111 = arith.constant 1.000000e-01 : f32
    %mul3A_112 = vector.broadcast %mul3A_111 : f32 to vector<1x1xf32>
    %mul3A_113 = arith.mulf %mul3A_112, %sub3A_110 : vector<1x1xf32>
    %add3A_114 = vector.broadcast %div3A_108 : f32 to vector<1x1xf32>
    %add3A_115 = arith.addf %add3A_114, %mul3A_113 : vector<1x1xf32>
    %mul3A_116 = arith.constant 9.99999974E-6 : f32
    %mul3A_117 = vector.broadcast %mul3A_116 : f32 to vector<1x1xf32>
    %mul3A_118 = arith.mulf %mul3A_117, %add3A_52 : vector<1x1xf32>
    %add3A_119 = arith.addf %add3A_115, %mul3A_118 : vector<1x1xf32>
    %swap3A = arith.constant 0 : index
    %swap3A_120 = arith.constant 0 : index
    %swap3A_121 = vector.load %arg4[%swap3A, %swap3A_120] : memref<1x1xf32, #tpu.memory_space<vmem>>, vector<1x1xf32>
    tpu.vector_store %arg4[%swap3A, %swap3A_120], %add3A_119 {strides = array<i32>} : memref<1x1xf32, #tpu.memory_space<vmem>>, vector<1x1xf32>,
    return
  }
}

</mosaic_0001>

<sc_bundles>
// kernel: gather_offload_async_start.1
scs
__scs_entry_jumppad:
0x0: {  	(pc) =	sbr.rel $0x88, $3  }
0x1: {  	(tag) =	ssettag $0x0;
	lr =	simm.s32 $0x1  }
0x2: {  	[smem:$0x3F9B] =	sst lr;
	_ =	strace $0xD0000000  }
0x3: {  	_ = 	snop  }
0x4: {  	_ = 	snop  }
0x5: {  	_ = 	snop  }
0x6: {  	_ = 	snop  }
0x7: {  	_ = 	snop  }
__scs_overlays_trampoline_lowered:
0x8: {  	[smem:$0x3FAA] =	sst s0  }
0x9: {  	[smem:$0x3FAB] =	sst s1  }
0xa: {  	[smem:$0x3FAC] =	sst s2  }
0xb: {  	[smem:$0x3FAD] =	sst s3  }
0xc: {  	[smem:$0x3FAE] =	sst s4  }
0xd: {  	[smem:$0x3FAF] =	sst s5  }
0xe: {  	[smem:$0x3FB0] =	sst s6  }
0xf: {  	[smem:$0x3FB1] =	sst s7  }
0x10: {  	[smem:$0x3FB2] =	sst s8  }
0x11: {  	[smem:$0x3FB3] =	sst s9;
	s0 =	simm.s32 @!p0 $0x0  }
0x12: {  	s1 =	sld [smem:$0x3F99];
	s0 =	simm.s32 @p0 $0x1  }
0x13: {  	[smem:$0x3FB4] =	sst s0;
	s0 =	simm.s32 @!p1 $0x0  }
0x14: {  	s2 =	sld [smem:$0x3F98];
	s0 =	simm.s32 @p1 $0x1  }
0x15: {  	[smem:$0x3FB5] =	sst s0;
	s0 =	simm.s32 @!p2 $0x0  }
0x16: {  	s3 =	sld [smem:$0x3FDB];
	s0 =	simm.s32 @p2 $0x1  }
0x17: {  	s4 =	simm.s32 $0x1BF5;
	[smem:$0x3FB7] =	sst s0  }
0x18: {  	s0 =	sld [smem:$0x3F9A];
	_ =	swait.ge [sflag:s4], $0x0  }
0x19: {  	s7 =	sld [smem:$0x3F9B]  }
0x1a: {  	s8 =	sadd.s32 $0xFFFFE003, lr  }
0x1b: {  	s9 =	sadd.s32 $0xFFFFFEF7, lr;
	s5 =	simm.s32 $0xFFFFFFFF;
	p2 =	slt.u32 s8, $0xFFFFF086  }
0x1c: {  	p1 =	slt.u32 s9, $0xF7A;
	s5 =	simm.s32 @!p2 $0x0  }
0x1d: {  	s5 =	simm.s32 @p1 $0x1;
	p0 =	seq.s32 s7, s2  }
0x1e: {  	s7 =	smul.u32 @!p0 $0xF7A, s2;
	p2 =	seq.s32 @!p0 s5, $0x0  }
0x1f: {  	s9 =	smul.u32 $0xF7A, s1;
	s8 =	simm.s32 @!p0 $0x1BF5;
	p2 =	por !p2, p0  }
0x20: {  	[sflag:s8] =	ssyncset.s32 @!p0 $0xFFFFF086;
	s6 =	sadd.s32 @!p0 s3, s7;
	s7 =	simm.s32 @!p0 $0x108  }
0x21: {  	s3 =	sadd.s32 s3, s9;
	s6 =	sadd.s32 @!p0 $0x88, s6;
	s7 =	simm.s32 @p2 $0x1082  }
0x22: {  	[simem:s7], [sflag:s8] =	dma.local @!p0 [hbm:s6], $0xF7A  }
0x23: {  	s9 =	sor.u32 $0xD0000000, s2;
	s6 =	simm.s32 $0x108;
	_ =	swait.ge @!p0 [sflag:s8], $0x0  }
0x24: {  	s3 =	sadd.s32 $0x88, s3;
	s6 =	simm.s32 @!p1 $0x1082;
	[sflag:s4] =	ssyncset.s32 $0xFFFFF086  }
0x25: {  	[simem:s6], [sflag:s4] =	dma.local [hbm:s3], $0xF7A  }
0x26: {  	[smem:$0x3F9B] =	sst s1;
	(tag) =	ssettag s2;
	_ =	strace s9  }
0x27: {  	s1 =	sld [smem:$0x3FAB]  }
0x28: {  	s2 =	sld [smem:$0x3FAC]  }
0x29: {  	s4 =	sld [smem:$0x3FAE]  }
0x2a: {  	p0 =	seq.s32 s5, $0x0;
	s5 =	sld [smem:$0x3FAF]  }
0x2b: {  	s6 =	sld [smem:$0x3FB0]  }
0x2c: {  	s7 =	sld [smem:$0x3FB1]  }
0x2d: {  	s3 =	simm.s32 $0x108;
	s8 =	sld [smem:$0x3FB2]  }
0x2e: {  	s3 =	simm.s32 @!p0 $0x1082;
	s9 =	sld [smem:$0x3FB3]  }
0x2f: {  	lr =	sadd.s32 s0, s3;
	s0 =	sld [smem:$0x3FAA]  }
0x30: {  	s3 =	sld [smem:$0x3FAD]  }
0x31: {  	[smem:$0x3FB6] =	sst s10  }
0x32: {  	s10 =	sld [smem:$0x3FB4];
	_ =	sdelay $0x3  }
0x33: {  	p0 =	seq.s32 s10, $0x1;
	s10 =	sld [smem:$0x3FB6];
	_ =	sdelay $0x3  }
0x34: {  	[smem:$0x3FB6] =	sst s10  }
0x35: {  	s10 =	sld [smem:$0x3FB5];
	_ =	sdelay $0x3  }
0x36: {  	p1 =	seq.s32 s10, $0x1;
	s10 =	sld [smem:$0x3FB6];
	_ =	sdelay $0x3  }
0x37: {  	[smem:$0x3FB6] =	sst s10  }
0x38: {  	s10 =	sld [smem:$0x3FB7]  }
0x39: {  	_ = 	snop;
	(pc) =	sbr.ind lr, $3  }
0x3a: {  	_ = 	snop  }
0x3b: {  	_ = 	snop  }
0x3c: {  	p2 =	seq.s32 s10, $0x1;
	s10 =	sld [smem:$0x3FB6]  }
0x3d: {  	_ =	shalt  }
0x3e: {  	_ =	shalt  }
0x3f: {  	_ =	shalt  }
0x40: {  	_ =	shalt  }
0x41: {  	_ =	shalt  }
0x42: {  	_ =	shalt  }
0x43: {  	_ =	shalt  }
0x44: {  	_ =	shalt  }
0x45: {  	_ =	shalt  }
0x46: {  	_ =	shalt  }
0x47: {  	_ =	shalt  }
0x48: {  	_ =	shalt  }
0x49: {  	_ =	shalt  }
0x4a: {  	_ =	shalt  }
0x4b: {  	_ =	shalt  }
0x4c: {  	_ =	shalt  }
0x4d: {  	_ =	shalt  }
0x4e: {  	_ =	shalt  }
0x4f: {  	_ =	shalt  }
0x50: {  	_ =	shalt  }
0x51: {  	_ =	shalt  }
0x52: {  	_ =	shalt  }
0x53: {  	_ =	shalt  }
0x54: {  	_ =	shalt  }
0x55: {  	_ =	shalt  }
0x56: {  	_ =	shalt  }
0x57: {  	_ =	shalt  }
0x58: {  	_ =	shalt  }
0x59: {  	_ =	shalt  }
0x5a: {  	_ =	shalt  }
0x5b: {  	_ =	shalt  }
0x5c: {  	_ =	shalt  }
0x5d: {  	_ =	shalt  }
0x5e: {  	_ =	shalt  }
0x5f: {  	_ =	shalt  }
0x60: {  	_ =	shalt  }
0x61: {  	_ =	shalt  }
0x62: {  	_ =	shalt  }
0x63: {  	_ =	shalt  }
0x64: {  	_ =	shalt  }
0x65: {  	_ =	shalt  }
0x66: {  	_ =	shalt  }
0x67: {  	_ =	shalt  }
0x68: {  	_ =	shalt  }
0x69: {  	_ =	shalt  }
0x6a: {  	_ =	shalt  }
0x6b: {  	_ =	shalt  }
0x6c: {  	_ =	shalt  }
0x6d: {  	_ =	shalt  }
0x6e: {  	_ =	shalt  }
0x6f: {  	_ =	shalt  }
0x70: {  	_ =	shalt  }
0x71: {  	_ =	shalt  }
0x72: {  	_ =	shalt  }
0x73: {  	_ =	shalt  }
0x74: {  	_ =	shalt  }
0x75: {  	_ =	shalt  }
0x76: {  	_ =	shalt  }
0x77: {  	_ =	shalt  }
0x78: {  	_ =	shalt  }
0x79: {  	_ =	shalt  }
0x7a: {  	_ =	shalt  }
0x7b: {  	_ =	shalt  }
0x7c: {  	_ =	shalt  }
0x7d: {  	_ =	shalt  }
0x7e: {  	_ =	shalt  }
0x7f: {  	_ =	shalt  }
0x80: {  	_ =	shalt  }
0x81: {  	_ =	shalt  }
0x82: {  	_ =	shalt  }
0x83: {  	_ =	shalt  }
0x84: {  	_ =	shalt  }
0x85: {  	_ =	shalt  }
0x86: {  	_ =	shalt  }
0x87: {  	_ =	shalt  }
.Lfunc_end0:
.L_simem_size_0:
called_computation.1_lowered:
.L_overlay_start_0:
0x88: {  	s2 =	sld [smem:$0x3FD9]  }
0x89: {  	s3 =	sld [smem:$0x3FFE];
	_ =	sdelay $0x1  }
0x8a: {  	s1 =	srdreg.scid  }
0x8b: {  	s0 =	sand.u32 $0x1, s1  }
0x8c: {  	s17 =	sshll.u32 s0, $0xA;
	s2 =	sadd.s32 s3, s2  }
0x8d: {  	s2 =	sadd.s32 s2, s17  }
0x8e: {  	[smem:$0x3FC2] =	sst s2  }
0x8f: {  	_ = 	snop  }
0x90: {  	s2 =	sld [smem:$0x3FC6];
	(tm) =	ssettm $0x1  }
0x91: {  	s18 =	sld [smem:$0x3FFB];
	_ =	sdelay $0x3  }
0x92: {  	_ =	strace s18  }
0x93: {  	s3 =	sld [smem:$0x3FFC];
	_ =	sdelay $0x3  }
0x94: {  	_ =	strace s3  }
0x95: {  	s3 =	sld [smem:$0x3FFD];
	_ =	sdelay $0x3  }
0x96: {  	_ =	strace s3  }
0x97: {  	_ =	strace $0x8FFFFFFF  }
0x98: {  	s19 =	sld [smem:$0x3FDB];
	_ =	sdelay $0x1  }
0x99: {  	s4 =	simm.s32 $_scs_section_size  }
0x9a: {  	s5 =	simm.s32 $_size__tile_overlayer_lowered;
	s6 =	simm.s32 $_tile_overlayer_lowered  }
0x9b: {  	s22 =	simm.s32 $0x1BFF;
	s21 =	sshll.u32 s6, $0x1;
	s3 =	sadd.s32 s4, s19  }
0x9c: {  	s7 =	simm.s32 $0x0;
	s20 =	sshll.u32 s5, $0x1;
	s5 =	sadd.s32 s21, s3  }
0x9d: {  	[timem:s7], [sflag:s22] =	dma.local [hbm:s5], s20  }
0x9e: {  	_ =	swait.ge [sflag:s22], s20  }
0x9f: {  	s4 =	ssub.s32 $0x0, s20;
	[sflag:s22] =	ssyncset.done $0x0  }
0xa0: {  	[sflag:s22] =	ssyncadd.s32 s4;
	_ =	sdelay $0x1  }
0xa1: {  	s23 =	simm.s32 $0x1B8B  }
0xa2: {  	_ =	swait.ge [sflag:s23], $0x1  }
0xa3: {  	[sflag:s23] =	ssyncset.done $0x0  }
0xa4: {  	s25 =	simm.s32 $0x1B8E;
	s24 =	sld [smem:$0x3FFE];
	[sflag:s23] =	ssyncadd.s32 $0xFFFFFFFF  }
0xa5: {  	s26 =	simm.s32 $execute0_lowered;
	[smem:$0x3FD2] =	sst s25  }
0xa6: {  	s5 =	sshll.u32 s26, $0x1;
	_ =	strace $0x80000046;
	[dreg:$0x1] =	wrdreg $0xFFFFFFFF  }
0xa7: {  	s28 =	simm.s32 $_size_execute0_lowered;
	s3 =	sadd.s32 s3, s5;
	[dreg:$0x0] =	wrdreg $0x0  }
0xa8: {  	s5 =	sshll.u32 s28, $0x1;
	[dreg:$0x2] =	wrdreg s3  }
0xa9: {  	[dreg:$0x3] =	wrdreg s5  }
0xaa: {  	[dreg:$0x4] =	wrdreg $0xC0  }
0xab: {  	_ =	task [dreg:s7], $0x5FFFF  }
0xac: {  	[dreg:$0x1] =	wrdreg $0xFFFFFFFF  }
0xad: {  	[dreg:$0x0] =	wrdreg $0x60  }
0xae: {  	[dreg:$0x2] =	wrdreg s2  }
0xaf: {  	[dreg:$0x3] =	wrdreg s24  }
0xb0: {  	[dreg:$0x4] =	wrdreg $0xA  }
0xb1: {  	_ =	task.clear_ibuf [dreg:s7], $0x5FFFF;
	_ =	strace $0x90000046  }
0xb2: {  	s29 =	simm.s32 $0xA;
	_ =	strace $0x80000048  }
0xb3: {  	_ =	swait.ge [sflag:s29], $0x1  }
0xb4: {  	[sflag:s29] =	ssyncadd.s32 $0xFFFFFFFF  }
0xb5: {  	_ =	strace $0x90000048  }
0xb6: {  	_ =	sfence  }
0xb7: {  	s30 =	sld [smem:$0x0];
	_ =	sdelay $0x2  }
0xb8: {  	s31 =	sshll.u32 s1, $0xD;
	s1 =	sshrl.u32 s1, $0x2  }
0xb9: {  	s3 =	sand.u32 $0x4000, s31;
	s1 =	sadd.s32 s1, s30  }
0xba: {  	s0 =	sor.u32 s3, s0;
	s1 =	sshll.u32 s1, $0x11  }
0xbb: {  	s0 =	sor.u32 s1, s0  }
0xbc: {  	s0 =	sadd.s32 $0x8F2B, s0  }
0xbd: {  	[sflag:s0] =	ssyncadd.remote.s32 $0x1  }
0xbe: {  	_ =	sfence.sel $0xFFFF  }
0xbf: {  	[dreg:$0x0] =	wrdreg $0xFFFFFFFF;
	(pc) =	sbr.abs _section_cstart, $3  }
0xc0: {  	[dreg:$0x1] =	wrdreg $0xFFFFFFFF  }
0xc1: {  	_ =	task.clear_ibuf [dreg:s7], $0x2FFFF;
	_ =	strace $0x9FFFFFFF  }
0xc2: {  	(tm) =	ssettm $0x7FFFFFFF  }
0xc3: {  	_ =	shalt  }
tec
execute0_lowered:
.L_overlay_start_1:
0x0: {  	(tag) =	ssettag $0x1  }
0x1: {  	s1 =	srdreg.scid  }
0x2: {  	s2 =	rddreg [dreg:$0x0];
	s0 =	stileid.u32  }
0x3: {  	s11 =	rddreg [dreg:$0x1];
	s5 =	simm.s32 $0x2;
	s1 =	sshll.u32 s1, $0x9  }
0x4: {  	s9 =	simm.s32 $0x3;
	s3 =	sshll.u32 s0, $0xA;
	s4 =	sand.u32 $0x200, s1  }
0x5: {  	s13 =	simm.s32 $0x0;
	s15 =	simm.s32 $0x0;
	s3 =	sor.u32 s3, s4  }
0x6: {  	s14 =	simm.s32 $0x0;
	s1 =	rddreg [dreg:$0x2];
	s4 =	sshrl.u32 s3, $0x3  }
0x7: {  	_ =	strace $0x80000047;
	s6 =	ssub.s32 $0x4000, s3;
	s8 =	sadd.s32 s4, s11  }
0x8: {  	s4 =	simm.s32 $0x1;
	s7 =	sand.u32 $0x3E00, s6;
	s10 =	sshrl.u32 s6, $0xE  }
.Ltmp0:
0x9: {  	s6 =	sadd.s32 $0x1A00, s11;
	[sflag:s4] =	ssyncpa.u1 $0x0;
	(pc) =	sbr.rel .LBB2_1-.Ltmp0, $4  }
0xa: {  	p0 =	sne.s32 s7, $0x0;
	s7 =	simm.s32 $0x1;
	s8 =	sadd.s32 $0x1200, s8  }
0xb: {  	[sflag:s5] =	ssyncpa.u1 $0x0;
	s7 =	simm.s32 @!p0 $0x0;
	p0 =	por $0x0, $0x0  }
0xc: {  	[sflag:s9] =	ssyncpa.u1 $0x0;
	s7 =	sadd.s32 s7, s10;
	s9 =	sadd.s32 $0x5A00, s11  }
0xd: {  	vm0 =	vmmov $0xffff;
	s10 =	sadd.s32 $0x9A00, s11;
	s11 =	sadd.s32 $0xDA00, s11;
	s12 =	sadd.s32 $0x1, s7  }
.LBB2_4:
0xe: {  	_ =	sdelay $0x3  }
0xf: {  	[tilespmem:s21], [sflag:$0x1] =	stream.indirect_vreg.gather [hbm4b:s2+s13], $0x1, v0, vm0, $0x4038;
	[tilespmem:$0x8400] =	vst v63  }
0x10: {  	s18 =	sshll.u32 s15, $0x3  }
0x11: {  	s24 =	sand.u32 $0x78, s15;
	s18 =	sand.u32 $0x7FFFFC00, s18  }
0x12: {  	_ =	swait.ge [sflag:s4], $0x4000;
	s15 =	sor.u32 s24, s18  }
0x13: {  	[sflag:s4] =	ssyncset.done $0x0;
	s15 =	sshrl.u32 s15, $0x3  }
0x14: {  	[sflag:s4] =	ssyncadd.s32 $0xFFFFC000;
	s25 =	sadd.s32 s6, s15  }
0x15: {  	[hbm:s25] =	stream.linear.scatter [tilespmem:s17], [sflag:$0x3], $0x1000, $0x38;
	[tilespmem:$0x8400] =	vst v63  }
0x16: {  	s26 =	sadd.s32 $0x1400, s16;
	s28 =	sadd.s32 s15, s9  }
0x17: {  	[hbm:s28] =	stream.linear.scatter [tilespmem:s26], [sflag:$0x3], $0x1000, $0x38;
	[tilespmem:$0x8400] =	vst v63  }
0x18: {  	s29 =	sadd.s32 $0x2400, s16;
	s30 =	sadd.s32 s15, s10  }
0x19: {  	[hbm:s30] =	stream.linear.scatter [tilespmem:s29], [sflag:$0x3], $0x1000, $0x38;
	[tilespmem:$0x8400] =	vst v63  }
0x1a: {  	s31 =	sadd.s32 $0x3400, s16;
	s15 =	sadd.s32 s15, s11  }
0x1b: {  	[hbm:s15] =	stream.linear.scatter [tilespmem:s31], [sflag:$0x3], $0x1000, $0x38;
	[tilespmem:$0x8400] =	vst v63  }
.LBB2_5:
0x1c: {  	p2 =	sne.s32 s14, s12  }
.Ltmp1:
0x1d: {  	p1 =	slt.u32 s14, $0x2;
	(pc) =	sbr.rel @!p2 .LBB2_6-.Ltmp1, $4  }
0x1e: {  	s15 =	simm.s32 @!p1 $0x3  }
0x1f: {  	_ =	swait.ge @!p1 [sflag:s15], $0x4000  }
0x20: {  	s16 =	sadd.s32 $0x1, s14;
	p0 =	por !p0, !p0;
	[sflag:s15] =	ssyncset.done @!p1 $0x0  }
0x21: {  	s14 =	smov.u32 s16;
	[sflag:s15] =	ssyncadd.s32 @!p1 $0xFFFFC000;
	s15 =	smov.u32 s3  }
.LBB2_1:
0x22: {  	p1 =	sge.u32 s14, s7  }
0x23: {  	s16 =	sxor.u32 @!p1 $0xFFFFFFFF, s14  }
0x24: {  	s16 =	sshll.u32 @!p1 s16, $0x9  }
0x25: {  	s31 =	sadd.s32 $0xFFFFFFFF, s14;
	s17 =	simm.s32 @!p1 $0x0;
	s16 =	sand.u32 @!p1 $0x200, s16  }
0x26: {  	[tilespmem:s16], [sflag:$0x2] =	stream.linear.gather @!p1 [hbm4b:s8+s17], $0x200, $0x38;
	[tilespmem:$0x8400] =	vst v63  }
0x27: {  	p1 =	sge.u32 s31, s7  }
.Ltmp2:
0x28: {  	_ = 	snop;
	(pc) =	sbr.rel @p1 .LBB2_5-.Ltmp2, $1  }
0x29: {  	_ =	sdelay $0x3  }
0x2a: {  	s16 =	simm.s32 $0x1;
	_ =	swait.ge [sflag:s5], $0x200  }
0x2b: {  	s16 =	simm.s32 @!p0 $0x0;
	[sflag:s5] =	ssyncset.done $0x0  }
0x2c: {  	s19 =	sshll.u32 s16, $0x9;
	[sflag:s5] =	ssyncadd.s32 $0xFFFFFE00  }
0x2d: {  	v0 =	vld.msk [tilespmem:s19+$0x0 ss:$0x1], $0xffff;
	_ =	sdelay $0x4  }
0x2e: {  	vm1 =	vgt.s32 v0, $0x0  }
0x2f: {  	v0 =	vnsel vm1, $0x0, v0  }
0x30: {  	v0 =	vmin.u32 v0, $0xF423F  }
0x31: {  	v1 =	vshll.u32 v0, $0x3  }
0x32: {  	v0 =	vand.u32 $0x7F, v0;
	v1 =	vand.u32 $0x7FFC00, v1  }
0x33: {  	s22 =	sshll.u32 s14, $0xE;
	v0 =	vor.u32 v0, v1  }
0x34: {  	s18 =	simm.s32 $0x0;
	s16 =	sand.u32 $0x4000, s22  }
0x35: {  	s20 =	sand.u32 $0xC00, s18;
	s17 =	sor.u32 $0x400, s16  }
0x36: {  	s21 =	sand.u32 $0x70, s18;
	(ifvalue) =	ssetifvalue $0x7FFFFFFF;
	s20 =	sadd.s32 s20, s17;
	v1 =	vor.u32 $0x80, v0  }
0x37: {  	(ifvalue) =	ssetifvalue $0x7FFFFFFF;
	s20 =	sadd.s32 s21, s20  }
0x38: {  	[tilespmem:s20], [sflag:$0x1] =	stream.indirect_vreg.gather [hbm4b:s2+s13], $0x1, v0, vm0, $0x4038;
	[tilespmem:$0x8400] =	vst v63  }
0x39: {  	v2 =	vor.u32 $0x100, v0;
	(ifvalue) =	ssetifvalue $0x7FFFFFFF  }
0x3a: {  	s21 =	sadd.s32 $0x80, s20;
	(ifvalue) =	ssetifvalue $0x7FFFFFFF  }
0x3b: {  	[tilespmem:s21], [sflag:$0x1] =	stream.indirect_vreg.gather [hbm4b:s2+s13], $0x1, v1, vm0, $0x4038;
	[tilespmem:$0x8400] =	vst v63  }
0x3c: {  	v1 =	vor.u32 $0x180, v0;
	(ifvalue) =	ssetifvalue $0x7FFFFFFF  }
0x3d: {  	s23 =	sadd.s32 $0x100, s20;
	(ifvalue) =	ssetifvalue $0x7FFFFFFF  }
0x3e: {  	[tilespmem:s23], [sflag:$0x1] =	stream.indirect_vreg.gather [hbm4b:s2+s13], $0x1, v2, vm0, $0x4038;
	[tilespmem:$0x8400] =	vst v63  }
0x3f: {  	v2 =	vor.u32 $0x200, v0;
	(ifvalue) =	ssetifvalue $0x7FFFFFFF  }
0x40: {  	s24 =	sadd.s32 $0x180, s20;
	(ifvalue) =	ssetifvalue $0x7FFFFFFF  }
0x41: {  	[tilespmem:s24], [sflag:$0x1] =	stream.indirect_vreg.gather [hbm4b:s2+s13], $0x1, v1, vm0, $0x4038;
	[tilespmem:$0x8400] =	vst v63  }
0x42: {  	(ifvalue) =	ssetifvalue $0x7FFFFFFF;
	v1 =	vor.u32 $0x280, v0  }
0x43: {  	s25 =	sadd.s32 $0x200, s20;
	(ifvalue) =	ssetifvalue $0x7FFFFFFF  }
0x44: {  	[tilespmem:s25], [sflag:$0x1] =	stream.indirect_vreg.gather [hbm4b:s2+s13], $0x1, v2, vm0, $0x4038;
	[tilespmem:$0x8400] =	vst v63  }
0x45: {  	(ifvalue) =	ssetifvalue $0x7FFFFFFF;
	v2 =	vor.u32 $0x300, v0  }
0x46: {  	s26 =	sadd.s32 $0x280, s20;
	(ifvalue) =	ssetifvalue $0x7FFFFFFF  }
0x47: {  	[tilespmem:s26], [sflag:$0x1] =	stream.indirect_vreg.gather [hbm4b:s2+s13], $0x1, v1, vm0, $0x4038;
	[tilespmem:$0x8400] =	vst v63  }
0x48: {  	(ifvalue) =	ssetifvalue $0x7FFFFFFF;
	v1 =	vor.u32 $0x380, v0  }
0x49: {  	s18 =	sor.u32 s18, s18;
	s28 =	sadd.s32 $0x300, s20;
	(ifvalue) =	ssetifvalue $0x7FFFFFFF  }
0x4a: {  	[tilespmem:s28], [sflag:$0x1] =	stream.indirect_vreg.gather [hbm4b:s2+s13], $0x1, v2, vm0, $0x4038;
	[tilespmem:$0x8400] =	vst v63  }
0x4b: {  	s18 =	sor.u32 $0x380, s18;
	(ifvalue) =	ssetifvalue $0x7FFFFFFF;
	v2 =	vadd.s32 $0x7A1400, v0  }
0x4c: {  	s18 =	sadd.s32 s18, s17;
	(ifvalue) =	ssetifvalue $0x7FFFFFFF  }
0x4d: {  	[tilespmem:s18], [sflag:$0x1] =	stream.indirect_vreg.gather [hbm4b:s2+s13], $0x1, v1, vm0, $0x4038;
	[tilespmem:$0x8400] =	vst v63  }
0x4e: {  	(ifvalue) =	ssetifvalue $0x7FFFFFFF;
	v1 =	vadd.s32 $0x7A1480, v0  }
0x4f: {  	s29 =	sadd.s32 $0x1000, s20;
	(ifvalue) =	ssetifvalue $0x7FFFFFFF  }
0x50: {  	[tilespmem:s29], [sflag:$0x1] =	stream.indirect_vreg.gather [hbm4b:s2+s13], $0x1, v2, vm0, $0x4038;
	[tilespmem:$0x8400] =	vst v63  }
0x51: {  	(ifvalue) =	ssetifvalue $0x7FFFFFFF;
	v2 =	vadd.s32 $0x7A1500, v0  }
0x52: {  	s30 =	sadd.s32 $0x1080, s20;
	(ifvalue) =	ssetifvalue $0x7FFFFFFF  }
0x53: {  	[tilespmem:s30], [sflag:$0x1] =	stream.indirect_vreg.gather [hbm4b:s2+s13], $0x1, v1, vm0, $0x4038;
	[tilespmem:$0x8400] =	vst v63  }
0x54: {  	(ifvalue) =	ssetifvalue $0x7FFFFFFF;
	v1 =	vadd.s32 $0x7A1580, v0  }
0x55: {  	s31 =	sadd.s32 $0x1100, s20;
	(ifvalue) =	ssetifvalue $0x7FFFFFFF  }
0x56: {  	[tilespmem:s31], [sflag:$0x1] =	stream.indirect_vreg.gather [hbm4b:s2+s13], $0x1, v2, vm0, $0x4038;
	[tilespmem:$0x8400] =	vst v63  }
0x57: {  	(ifvalue) =	ssetifvalue $0x7FFFFFFF;
	v2 =	vadd.s32 $0x7A1600, v0  }
0x58: {  	s21 =	sadd.s32 $0x1180, s20;
	(ifvalue) =	ssetifvalue $0x7FFFFFFF  }
0x59: {  	[tilespmem:s21], [sflag:$0x1] =	stream.indirect_vreg.gather [hbm4b:s2+s13], $0x1, v1, vm0, $0x4038;
	[tilespmem:$0x8400] =	vst v63  }
0x5a: {  	(ifvalue) =	ssetifvalue $0x7FFFFFFF;
	v1 =	vadd.s32 $0x7A1680, v0  }
0x5b: {  	s22 =	sadd.s32 $0x1200, s20;
	(ifvalue) =	ssetifvalue $0x7FFFFFFF  }
0x5c: {  	[tilespmem:s22], [sflag:$0x1] =	stream.indirect_vreg.gather [hbm4b:s2+s13], $0x1, v2, vm0, $0x4038;
	[tilespmem:$0x8400] =	vst v63  }
0x5d: {  	(ifvalue) =	ssetifvalue $0x7FFFFFFF;
	v2 =	vadd.s32 $0x7A1700, v0  }
0x5e: {  	s23 =	sadd.s32 $0x1280, s20;
	(ifvalue) =	ssetifvalue $0x7FFFFFFF  }
0x5f: {  	[tilespmem:s23], [sflag:$0x1] =	stream.indirect_vreg.gather [hbm4b:s2+s13], $0x1, v1, vm0, $0x4038;
	[tilespmem:$0x8400] =	vst v63  }
0x60: {  	(ifvalue) =	ssetifvalue $0x7FFFFFFF;
	v1 =	vadd.s32 $0x7A1780, v0  }
0x61: {  	s24 =	sadd.s32 $0x1300, s20;
	(ifvalue) =	ssetifvalue $0x7FFFFFFF  }
0x62: {  	[tilespmem:s24], [sflag:$0x1] =	stream.indirect_vreg.gather [hbm4b:s2+s13], $0x1, v2, vm0, $0x4038;
	[tilespmem:$0x8400] =	vst v63  }
0x63: {  	(ifvalue) =	ssetifvalue $0x7FFFFFFF;
	v2 =	vadd.s32 $0xF42800, v0  }
0x64: {  	s25 =	sadd.s32 $0x1380, s20;
	(ifvalue) =	ssetifvalue $0x7FFFFFFF  }
0x65: {  	[tilespmem:s25], [sflag:$0x1] =	stream.indirect_vreg.gather [hbm4b:s2+s13], $0x1, v1, vm0, $0x4038;
	[tilespmem:$0x8400] =	vst v63  }
0x66: {  	(ifvalue) =	ssetifvalue $0x7FFFFFFF;
	v1 =	vadd.s32 $0xF42880, v0  }
0x67: {  	s26 =	sadd.s32 $0x2000, s20;
	(ifvalue) =	ssetifvalue $0x7FFFFFFF  }
0x68: {  	[tilespmem:s26], [sflag:$0x1] =	stream.indirect_vreg.gather [hbm4b:s2+s13], $0x1, v2, vm0, $0x4038;
	[tilespmem:$0x8400] =	vst v63  }
0x69: {  	(ifvalue) =	ssetifvalue $0x7FFFFFFF;
	v2 =	vadd.s32 $0xF42900, v0  }
0x6a: {  	s28 =	sadd.s32 $0x2080, s20;
	(ifvalue) =	ssetifvalue $0x7FFFFFFF  }
0x6b: {  	[tilespmem:s28], [sflag:$0x1] =	stream.indirect_vreg.gather [hbm4b:s2+s13], $0x1, v1, vm0, $0x4038;
	[tilespmem:$0x8400] =	vst v63  }
0x6c: {  	(ifvalue) =	ssetifvalue $0x7FFFFFFF;
	v1 =	vadd.s32 $0xF42980, v0  }
0x6d: {  	s29 =	sadd.s32 $0x2100, s20;
	(ifvalue) =	ssetifvalue $0x7FFFFFFF  }
0x6e: {  	[tilespmem:s29], [sflag:$0x1] =	stream.indirect_vreg.gather [hbm4b:s2+s13], $0x1, v2, vm0, $0x4038;
	[tilespmem:$0x8400] =	vst v63  }
0x6f: {  	(ifvalue) =	ssetifvalue $0x7FFFFFFF;
	v2 =	vadd.s32 $0xF42A00, v0  }
0x70: {  	s30 =	sadd.s32 $0x2180, s20;
	(ifvalue) =	ssetifvalue $0x7FFFFFFF  }
0x71: {  	[tilespmem:s30], [sflag:$0x1] =	stream.indirect_vreg.gather [hbm4b:s2+s13], $0x1, v1, vm0, $0x4038;
	[tilespmem:$0x8400] =	vst v63  }
0x72: {  	(ifvalue) =	ssetifvalue $0x7FFFFFFF;
	v1 =	vadd.s32 $0xF42A80, v0  }
0x73: {  	s31 =	sadd.s32 $0x2200, s20;
	(ifvalue) =	ssetifvalue $0x7FFFFFFF  }
0x74: {  	[tilespmem:s31], [sflag:$0x1] =	stream.indirect_vreg.gather [hbm4b:s2+s13], $0x1, v2, vm0, $0x4038;
	[tilespmem:$0x8400] =	vst v63  }
0x75: {  	(ifvalue) =	ssetifvalue $0x7FFFFFFF;
	v2 =	vadd.s32 $0xF42B00, v0  }
0x76: {  	s21 =	sadd.s32 $0x2280, s20;
	(ifvalue) =	ssetifvalue $0x7FFFFFFF  }
0x77: {  	[tilespmem:s21], [sflag:$0x1] =	stream.indirect_vreg.gather [hbm4b:s2+s13], $0x1, v1, vm0, $0x4038;
	[tilespmem:$0x8400] =	vst v63  }
0x78: {  	(ifvalue) =	ssetifvalue $0x7FFFFFFF;
	v1 =	vadd.s32 $0xF42B80, v0  }
0x79: {  	s22 =	sadd.s32 $0x2300, s20;
	(ifvalue) =	ssetifvalue $0x7FFFFFFF  }
0x7a: {  	[tilespmem:s22], [sflag:$0x1] =	stream.indirect_vreg.gather [hbm4b:s2+s13], $0x1, v2, vm0, $0x4038;
	[tilespmem:$0x8400] =	vst v63  }
0x7b: {  	(ifvalue) =	ssetifvalue $0x7FFFFFFF;
	v2 =	vadd.s32 $0x16E3C00, v0  }
0x7c: {  	s23 =	sadd.s32 $0x2380, s20;
	(ifvalue) =	ssetifvalue $0x7FFFFFFF  }
0x7d: {  	[tilespmem:s23], [sflag:$0x1] =	stream.indirect_vreg.gather [hbm4b:s2+s13], $0x1, v1, vm0, $0x4038;
	[tilespmem:$0x8400] =	vst v63  }
0x7e: {  	(ifvalue) =	ssetifvalue $0x7FFFFFFF;
	v1 =	vadd.s32 $0x16E3C80, v0  }
0x7f: {  	s24 =	sadd.s32 $0x3000, s20;
	(ifvalue) =	ssetifvalue $0x7FFFFFFF  }
0x80: {  	[tilespmem:s24], [sflag:$0x1] =	stream.indirect_vreg.gather [hbm4b:s2+s13], $0x1, v2, vm0, $0x4038;
	[tilespmem:$0x8400] =	vst v63  }
0x81: {  	(ifvalue) =	ssetifvalue $0x7FFFFFFF;
	v2 =	vadd.s32 $0x16E3D00, v0  }
0x82: {  	s25 =	sadd.s32 $0x3080, s20;
	(ifvalue) =	ssetifvalue $0x7FFFFFFF  }
0x83: {  	[tilespmem:s25], [sflag:$0x1] =	stream.indirect_vreg.gather [hbm4b:s2+s13], $0x1, v1, vm0, $0x4038;
	[tilespmem:$0x8400] =	vst v63  }
0x84: {  	(ifvalue) =	ssetifvalue $0x7FFFFFFF;
	v1 =	vadd.s32 $0x16E3D80, v0  }
0x85: {  	s26 =	sadd.s32 $0x3100, s20;
	(ifvalue) =	ssetifvalue $0x7FFFFFFF  }
0x86: {  	[tilespmem:s26], [sflag:$0x1] =	stream.indirect_vreg.gather [hbm4b:s2+s13], $0x1, v2, vm0, $0x4038;
	[tilespmem:$0x8400] =	vst v63  }
0x87: {  	(ifvalue) =	ssetifvalue $0x7FFFFFFF;
	v2 =	vadd.s32 $0x16E3E00, v0  }
0x88: {  	s28 =	sadd.s32 $0x3180, s20;
	(ifvalue) =	ssetifvalue $0x7FFFFFFF  }
0x89: {  	[tilespmem:s28], [sflag:$0x1] =	stream.indirect_vreg.gather [hbm4b:s2+s13], $0x1, v1, vm0, $0x4038;
	[tilespmem:$0x8400] =	vst v63  }
0x8a: {  	(ifvalue) =	ssetifvalue $0x7FFFFFFF;
	v1 =	vadd.s32 $0x16E3E80, v0  }
0x8b: {  	s29 =	sadd.s32 $0x3200, s20;
	(ifvalue) =	ssetifvalue $0x7FFFFFFF  }
0x8c: {  	[tilespmem:s29], [sflag:$0x1] =	stream.indirect_vreg.gather [hbm4b:s2+s13], $0x1, v2, vm0, $0x4038;
	[tilespmem:$0x8400] =	vst v63  }
0x8d: {  	(ifvalue) =	ssetifvalue $0x7FFFFFFF;
	v2 =	vadd.s32 $0x16E3F00, v0  }
0x8e: {  	s30 =	sadd.s32 $0x3280, s20;
	(ifvalue) =	ssetifvalue $0x7FFFFFFF  }
0x8f: {  	[tilespmem:s30], [sflag:$0x1] =	stream.indirect_vreg.gather [hbm4b:s2+s13], $0x1, v1, vm0, $0x4038;
	[tilespmem:$0x8400] =	vst v63  }
0x90: {  	v0 =	vadd.s32 $0x16E3F80, v0;
	(ifvalue) =	ssetifvalue $0x7FFFFFFF  }
0x91: {  	s31 =	sadd.s32 $0x3300, s20;
	(ifvalue) =	ssetifvalue $0x7FFFFFFF  }
0x92: {  	[tilespmem:s31], [sflag:$0x1] =	stream.indirect_vreg.gather [hbm4b:s2+s13], $0x1, v2, vm0, $0x4038;
	[tilespmem:$0x8400] =	vst v63  }
0x93: {  	s19 =	sadd.s32 $0x10, s19;
	s18 =	simm.s32 $0x10;
	(ifvalue) =	ssetifvalue $0x7FFFFFFF  }
0x94: {  	s21 =	sadd.s32 $0x3380, s20;
	s20 =	simm.s32 $0x80;
	(ifvalue) =	ssetifvalue $0x7FFFFFFF  }
.LBB2_3:
0x95: {  	[tilespmem:s21], [sflag:$0x1] =	stream.indirect_vreg.gather [hbm4b:s2+s13], $0x1, v0, vm0, $0x4038;
	[tilespmem:$0x8400] =	vst v63  }
0x96: {  	p1 =	sne.s32 s18, $0x1F0;
	s22 =	smov.u32 s18;
	s18 =	sadd.s32 $0x10, s18;
	v0 =	vld.msk [tilespmem:s19+$0x0 ss:$0x1], $0xffff  }
0x97: {  	(ifvalue) =	ssetifvalue $0x7FFFFFFF;
	_ =	sdelay $0x4  }
0x98: {  	vm1 =	vgt.s32 v0, $0x0  }
0x99: {  	v0 =	vnsel vm1, $0x0, v0  }
0x9a: {  	v0 =	vmin.u32 v0, $0xF423F  }
0x9b: {  	v1 =	vshll.u32 v0, $0x3  }
0x9c: {  	v0 =	vand.u32 $0x7F, v0;
	v1 =	vand.u32 $0x7FFC00, v1  }
0x9d: {  	v0 =	vor.u32 v0, v1;
	_ =	sdelay $0x1  }
0x9e: {  	s21 =	sand.u32 $0xC00, s20  }
0x9f: {  	s23 =	sand.u32 $0x70, s22;
	s21 =	sadd.s32 s21, s17;
	v1 =	vor.u32 $0x80, v0  }
0xa0: {  	s21 =	sadd.s32 s23, s21;
	(ifvalue) =	ssetifvalue $0x7FFFFFFF  }
0xa1: {  	[tilespmem:s21], [sflag:$0x1] =	stream.indirect_vreg.gather [hbm4b:s2+s13], $0x1, v0, vm0, $0x4038;
	[tilespmem:$0x8400] =	vst v63  }
0xa2: {  	v2 =	vor.u32 $0x100, v0;
	(ifvalue) =	ssetifvalue $0x7FFFFFFF  }
0xa3: {  	s23 =	sadd.s32 $0x80, s21;
	(ifvalue) =	ssetifvalue $0x7FFFFFFF  }
0xa4: {  	[tilespmem:s23], [sflag:$0x1] =	stream.indirect_vreg.gather [hbm4b:s2+s13], $0x1, v1, vm0, $0x4038;
	[tilespmem:$0x8400] =	vst v63  }
0xa5: {  	v1 =	vor.u32 $0x180, v0;
	(ifvalue) =	ssetifvalue $0x7FFFFFFF  }
0xa6: {  	s23 =	sadd.s32 $0x100, s21;
	(ifvalue) =	ssetifvalue $0x7FFFFFFF  }
0xa7: {  	[tilespmem:s23], [sflag:$0x1] =	stream.indirect_vreg.gather [hbm4b:s2+s13], $0x1, v2, vm0, $0x4038;
	[tilespmem:$0x8400] =	vst v63  }
0xa8: {  	v2 =	vor.u32 $0x200, v0;
	(ifvalue) =	ssetifvalue $0x7FFFFFFF  }
0xa9: {  	s23 =	sadd.s32 $0x180, s21;
	(ifvalue) =	ssetifvalue $0x7FFFFFFF  }
0xaa: {  	[tilespmem:s23], [sflag:$0x1] =	stream.indirect_vreg.gather [hbm4b:s2+s13], $0x1, v1, vm0, $0x4038;
	[tilespmem:$0x8400] =	vst v63  }
0xab: {  	v1 =	vor.u32 $0x280, v0;
	(ifvalue) =	ssetifvalue $0x7FFFFFFF  }
0xac: {  	s23 =	sadd.s32 $0x200, s21;
	(ifvalue) =	ssetifvalue $0x7FFFFFFF  }
0xad: {  	[tilespmem:s23], [sflag:$0x1] =	stream.indirect_vreg.gather [hbm4b:s2+s13], $0x1, v2, vm0, $0x4038;
	[tilespmem:$0x8400] =	vst v63  }
0xae: {  	v2 =	vor.u32 $0x300, v0;
	(ifvalue) =	ssetifvalue $0x7FFFFFFF  }
0xaf: {  	s23 =	sadd.s32 $0x280, s21;
	(ifvalue) =	ssetifvalue $0x7FFFFFFF  }
0xb0: {  	[tilespmem:s23], [sflag:$0x1] =	stream.indirect_vreg.gather [hbm4b:s2+s13], $0x1, v1, vm0, $0x4038;
	[tilespmem:$0x8400] =	vst v63  }
0xb1: {  	v1 =	vor.u32 $0x380, v0;
	(ifvalue) =	ssetifvalue $0x7FFFFFFF  }
0xb2: {  	s22 =	sor.u32 s20, s22;
	s23 =	sadd.s32 $0x300, s21;
	(ifvalue) =	ssetifvalue $0x7FFFFFFF  }
0xb3: {  	[tilespmem:s23], [sflag:$0x1] =	stream.indirect_vreg.gather [hbm4b:s2+s13], $0x1, v2, vm0, $0x4038;
	[tilespmem:$0x8400] =	vst v63  }
0xb4: {  	s22 =	sor.u32 $0x380, s22;
	v2 =	vadd.s32 $0x7A1400, v0;
	(ifvalue) =	ssetifvalue $0x7FFFFFFF  }
0xb5: {  	s22 =	sadd.s32 s22, s17;
	(ifvalue) =	ssetifvalue $0x7FFFFFFF  }
0xb6: {  	[tilespmem:s22], [sflag:$0x1] =	stream.indirect_vreg.gather [hbm4b:s2+s13], $0x1, v1, vm0, $0x4038;
	[tilespmem:$0x8400] =	vst v63  }
0xb7: {  	v1 =	vadd.s32 $0x7A1480, v0;
	(ifvalue) =	ssetifvalue $0x7FFFFFFF  }
0xb8: {  	s22 =	sadd.s32 $0x1000, s21;
	(ifvalue) =	ssetifvalue $0x7FFFFFFF  }
0xb9: {  	[tilespmem:s22], [sflag:$0x1] =	stream.indirect_vreg.gather [hbm4b:s2+s13], $0x1, v2, vm0, $0x4038;
	[tilespmem:$0x8400] =	vst v63  }
0xba: {  	v2 =	vadd.s32 $0x7A1500, v0;
	(ifvalue) =	ssetifvalue $0x7FFFFFFF  }
0xbb: {  	s22 =	sadd.s32 $0x1080, s21;
	(ifvalue) =	ssetifvalue $0x7FFFFFFF  }
0xbc: {  	[tilespmem:s22], [sflag:$0x1] =	stream.indirect_vreg.gather [hbm4b:s2+s13], $0x1, v1, vm0, $0x4038;
	[tilespmem:$0x8400] =	vst v63  }
0xbd: {  	v1 =	vadd.s32 $0x7A1580, v0;
	(ifvalue) =	ssetifvalue $0x7FFFFFFF  }
0xbe: {  	s22 =	sadd.s32 $0x1100, s21;
	(ifvalue) =	ssetifvalue $0x7FFFFFFF  }
0xbf: {  	[tilespmem:s22], [sflag:$0x1] =	stream.indirect_vreg.gather [hbm4b:s2+s13], $0x1, v2, vm0, $0x4038;
	[tilespmem:$0x8400] =	vst v63  }
0xc0: {  	v2 =	vadd.s32 $0x7A1600, v0;
	(ifvalue) =	ssetifvalue $0x7FFFFFFF  }
0xc1: {  	s22 =	sadd.s32 $0x1180, s21;
	(ifvalue) =	ssetifvalue $0x7FFFFFFF  }
0xc2: {  	[tilespmem:s22], [sflag:$0x1] =	stream.indirect_vreg.gather [hbm4b:s2+s13], $0x1, v1, vm0, $0x4038;
	[tilespmem:$0x8400] =	vst v63  }
0xc3: {  	v1 =	vadd.s32 $0x7A1680, v0;
	(ifvalue) =	ssetifvalue $0x7FFFFFFF  }
0xc4: {  	s22 =	sadd.s32 $0x1200, s21;
	(ifvalue) =	ssetifvalue $0x7FFFFFFF  }
0xc5: {  	[tilespmem:s22], [sflag:$0x1] =	stream.indirect_vreg.gather [hbm4b:s2+s13], $0x1, v2, vm0, $0x4038;
	[tilespmem:$0x8400] =	vst v63  }
0xc6: {  	v2 =	vadd.s32 $0x7A1700, v0;
	(ifvalue) =	ssetifvalue $0x7FFFFFFF  }
0xc7: {  	s22 =	sadd.s32 $0x1280, s21;
	(ifvalue) =	ssetifvalue $0x7FFFFFFF  }
0xc8: {  	[tilespmem:s22], [sflag:$0x1] =	stream.indirect_vreg.gather [hbm4b:s2+s13], $0x1, v1, vm0, $0x4038;
	[tilespmem:$0x8400] =	vst v63  }
0xc9: {  	v1 =	vadd.s32 $0x7A1780, v0;
	(ifvalue) =	ssetifvalue $0x7FFFFFFF  }
0xca: {  	s22 =	sadd.s32 $0x1300, s21;
	(ifvalue) =	ssetifvalue $0x7FFFFFFF  }
0xcb: {  	[tilespmem:s22], [sflag:$0x1] =	stream.indirect_vreg.gather [hbm4b:s2+s13], $0x1, v2, vm0, $0x4038;
	[tilespmem:$0x8400] =	vst v63  }
0xcc: {  	v2 =	vadd.s32 $0xF42800, v0;
	(ifvalue) =	ssetifvalue $0x7FFFFFFF  }
0xcd: {  	s22 =	sadd.s32 $0x1380, s21;
	(ifvalue) =	ssetifvalue $0x7FFFFFFF  }
0xce: {  	[tilespmem:s22], [sflag:$0x1] =	stream.indirect_vreg.gather [hbm4b:s2+s13], $0x1, v1, vm0, $0x4038;
	[tilespmem:$0x8400] =	vst v63  }
0xcf: {  	v1 =	vadd.s32 $0xF42880, v0;
	(ifvalue) =	ssetifvalue $0x7FFFFFFF  }
0xd0: {  	s22 =	sadd.s32 $0x2000, s21;
	(ifvalue) =	ssetifvalue $0x7FFFFFFF  }
0xd1: {  	[tilespmem:s22], [sflag:$0x1] =	stream.indirect_vreg.gather [hbm4b:s2+s13], $0x1, v2, vm0, $0x4038;
	[tilespmem:$0x8400] =	vst v63  }
0xd2: {  	v2 =	vadd.s32 $0xF42900, v0;
	(ifvalue) =	ssetifvalue $0x7FFFFFFF  }
0xd3: {  	s22 =	sadd.s32 $0x2080, s21;
	(ifvalue) =	ssetifvalue $0x7FFFFFFF  }
0xd4: {  	[tilespmem:s22], [sflag:$0x1] =	stream.indirect_vreg.gather [hbm4b:s2+s13], $0x1, v1, vm0, $0x4038;
	[tilespmem:$0x8400] =	vst v63  }
0xd5: {  	v1 =	vadd.s32 $0xF42980, v0;
	(ifvalue) =	ssetifvalue $0x7FFFFFFF  }
0xd6: {  	s22 =	sadd.s32 $0x2100, s21;
	(ifvalue) =	ssetifvalue $0x7FFFFFFF  }
0xd7: {  	[tilespmem:s22], [sflag:$0x1] =	stream.indirect_vreg.gather [hbm4b:s2+s13], $0x1, v2, vm0, $0x4038;
	[tilespmem:$0x8400] =	vst v63  }
0xd8: {  	v2 =	vadd.s32 $0xF42A00, v0;
	(ifvalue) =	ssetifvalue $0x7FFFFFFF  }
0xd9: {  	s22 =	sadd.s32 $0x2180, s21;
	(ifvalue) =	ssetifvalue $0x7FFFFFFF  }
0xda: {  	[tilespmem:s22], [sflag:$0x1] =	stream.indirect_vreg.gather [hbm4b:s2+s13], $0x1, v1, vm0, $0x4038;
	[tilespmem:$0x8400] =	vst v63  }
0xdb: {  	v1 =	vadd.s32 $0xF42A80, v0;
	(ifvalue) =	ssetifvalue $0x7FFFFFFF  }
0xdc: {  	s22 =	sadd.s32 $0x2200, s21;
	(ifvalue) =	ssetifvalue $0x7FFFFFFF  }
0xdd: {  	[tilespmem:s22], [sflag:$0x1] =	stream.indirect_vreg.gather [hbm4b:s2+s13], $0x1, v2, vm0, $0x4038;
	[tilespmem:$0x8400] =	vst v63  }
0xde: {  	v2 =	vadd.s32 $0xF42B00, v0;
	(ifvalue) =	ssetifvalue $0x7FFFFFFF  }
0xdf: {  	s22 =	sadd.s32 $0x2280, s21;
	(ifvalue) =	ssetifvalue $0x7FFFFFFF  }
0xe0: {  	[tilespmem:s22], [sflag:$0x1] =	stream.indirect_vreg.gather [hbm4b:s2+s13], $0x1, v1, vm0, $0x4038;
	[tilespmem:$0x8400] =	vst v63  }
0xe1: {  	v1 =	vadd.s32 $0xF42B80, v0;
	(ifvalue) =	ssetifvalue $0x7FFFFFFF  }
0xe2: {  	s22 =	sadd.s32 $0x2300, s21;
	(ifvalue) =	ssetifvalue $0x7FFFFFFF  }
0xe3: {  	[tilespmem:s22], [sflag:$0x1] =	stream.indirect_vreg.gather [hbm4b:s2+s13], $0x1, v2, vm0, $0x4038;
	[tilespmem:$0x8400] =	vst v63  }
0xe4: {  	v2 =	vadd.s32 $0x16E3C00, v0;
	(ifvalue) =	ssetifvalue $0x7FFFFFFF  }
0xe5: {  	s22 =	sadd.s32 $0x2380, s21;
	(ifvalue) =	ssetifvalue $0x7FFFFFFF  }
0xe6: {  	[tilespmem:s22], [sflag:$0x1] =	stream.indirect_vreg.gather [hbm4b:s2+s13], $0x1, v1, vm0, $0x4038;
	[tilespmem:$0x8400] =	vst v63  }
0xe7: {  	v1 =	vadd.s32 $0x16E3C80, v0;
	(ifvalue) =	ssetifvalue $0x7FFFFFFF  }
0xe8: {  	s22 =	sadd.s32 $0x3000, s21;
	(ifvalue) =	ssetifvalue $0x7FFFFFFF  }
0xe9: {  	[tilespmem:s22], [sflag:$0x1] =	stream.indirect_vreg.gather [hbm4b:s2+s13], $0x1, v2, vm0, $0x4038;
	[tilespmem:$0x8400] =	vst v63  }
0xea: {  	v2 =	vadd.s32 $0x16E3D00, v0;
	(ifvalue) =	ssetifvalue $0x7FFFFFFF  }
0xeb: {  	s22 =	sadd.s32 $0x3080, s21;
	(ifvalue) =	ssetifvalue $0x7FFFFFFF  }
0xec: {  	[tilespmem:s22], [sflag:$0x1] =	stream.indirect_vreg.gather [hbm4b:s2+s13], $0x1, v1, vm0, $0x4038;
	[tilespmem:$0x8400] =	vst v63  }
0xed: {  	v1 =	vadd.s32 $0x16E3D80, v0;
	(ifvalue) =	ssetifvalue $0x7FFFFFFF  }
0xee: {  	s22 =	sadd.s32 $0x3100, s21;
	(ifvalue) =	ssetifvalue $0x7FFFFFFF  }
0xef: {  	[tilespmem:s22], [sflag:$0x1] =	stream.indirect_vreg.gather [hbm4b:s2+s13], $0x1, v2, vm0, $0x4038;
	[tilespmem:$0x8400] =	vst v63  }
0xf0: {  	v2 =	vadd.s32 $0x16E3E00, v0;
	(ifvalue) =	ssetifvalue $0x7FFFFFFF  }
0xf1: {  	s22 =	sadd.s32 $0x3180, s21;
	(ifvalue) =	ssetifvalue $0x7FFFFFFF  }
0xf2: {  	[tilespmem:s22], [sflag:$0x1] =	stream.indirect_vreg.gather [hbm4b:s2+s13], $0x1, v1, vm0, $0x4038;
	[tilespmem:$0x8400] =	vst v63  }
0xf3: {  	v1 =	vadd.s32 $0x16E3E80, v0;
	(ifvalue) =	ssetifvalue $0x7FFFFFFF  }
0xf4: {  	s22 =	sadd.s32 $0x3200, s21;
	(ifvalue) =	ssetifvalue $0x7FFFFFFF  }
0xf5: {  	[tilespmem:s22], [sflag:$0x1] =	stream.indirect_vreg.gather [hbm4b:s2+s13], $0x1, v2, vm0, $0x4038;
	[tilespmem:$0x8400] =	vst v63  }
0xf6: {  	v2 =	vadd.s32 $0x16E3F00, v0;
	(ifvalue) =	ssetifvalue $0x7FFFFFFF  }
0xf7: {  	s22 =	sadd.s32 $0x3280, s21;
	(ifvalue) =	ssetifvalue $0x7FFFFFFF  }
0xf8: {  	[tilespmem:s22], [sflag:$0x1] =	stream.indirect_vreg.gather [hbm4b:s2+s13], $0x1, v1, vm0, $0x4038;
	[tilespmem:$0x8400] =	vst v63  }
.Ltmp3:
0xf9: {  	v0 =	vadd.s32 $0x16E3F80, v0;
	(ifvalue) =	ssetifvalue $0x7FFFFFFF;
	(pc) =	sbr.rel @p1 .LBB2_3-.Ltmp3, $4  }
0xfa: {  	s22 =	sadd.s32 $0x3300, s21;
	(ifvalue) =	ssetifvalue $0x7FFFFFFF  }
0xfb: {  	[tilespmem:s22], [sflag:$0x1] =	stream.indirect_vreg.gather [hbm4b:s2+s13], $0x1, v2, vm0, $0x4038;
	[tilespmem:$0x8400] =	vst v63  }
0xfc: {  	s19 =	sadd.s32 $0x10, s19;
	(ifvalue) =	ssetifvalue $0x7FFFFFFF  }
0xfd: {  	s20 =	sadd.s32 $0x80, s20;
	s21 =	sadd.s32 $0x3380, s21;
	(ifvalue) =	ssetifvalue $0x7FFFFFFF  }
.Ltmp4:
0xfe: {  	_ = 	snop;
	(pc) =	sbr.rel .LBB2_4-.Ltmp4, $1  }
0xff: {  	_ =	sdelay $0x3  }
.LBB2_6:
0x100: {  	_ =	sfence.sel $0x180000  }
0x101: {  	s2 =	simm.s32 $0x2;
	[bflag:$0x0] =	sbarrier.arrive $0xFFFF  }
0x102: {  	s30 =	simm.s32 $0x3;
	[sflag:s2] =	ssyncpa.u1 $0x1  }
0x103: {  	s31 =	simm.s32 $0x1;
	[sflag:s30] =	ssyncpa.u1 $0x1  }
0x104: {  	[sflag:s31] =	ssyncpa.u1 $0x1  }
0x105: {  	p0 =	sne.s32 s0, $0x0;
	_ =	strace $0x90000047  }
0x106: {  	s0 =	sadd.s32 @!p0 $0x100000, s1;
	[bflag:$0x2] =	sbarrier.arrive $0xFFFF  }
0x107: {  	[sflag:s0] =	ssyncadd.tile.s32 @!p0 $0x1;
	_ =	shalt  }
.Lfunc_end2:
_tile_overlayer_lowered:
.L_overlay_start_2:
0x108: {  	(tag) =	ssettag $0x2  }
0x109: {  	s0 =	rddreg [dreg:$0x0];
	s2 =	stileid.u32  }
0x10a: {  	s1 =	rddreg [dreg:$0x1];
	p0 =	sne.s32 s2, $0x0  }
0x10b: {  	s3 =	rddreg [dreg:$0x2];
	[bflag:$0x3] =	sbarrier.arrive $0xFFFF;
	s2 =	simm.s32 @!p0 $0x1C01  }
0x10c: {  	[timem:s3], [sflag:s2] =	dma.local @!p0 [hbm:s0], s1  }
0x10d: {  	s0 =	simm.s32 @!p0 $0x1  }
0x10e: {  	_ =	swait.ge @!p0 [sflag:s0], s1  }
0x10f: {  	s1 =	ssub.s32 @!p0 $0x0, s1;
	[sflag:s0] =	ssyncset.done @!p0 $0x0  }
0x110: {  	[sflag:s0] =	ssyncadd.s32 @!p0 s1  }
0x111: {  	[bflag:$0x3] =	sbarrier.arrive $0xFFFF  }
0x112: {  	_ =	shalt  }

// kernel: gather_offload_async_start
scs
__scs_entry_jumppad:
0x0: {  	(pc) =	sbr.rel $0x88, $3  }
0x1: {  	(tag) =	ssettag $0x0;
	lr =	simm.s32 $0x1  }
0x2: {  	[smem:$0x3F9B] =	sst lr;
	_ =	strace $0xD0000000  }
0x3: {  	_ = 	snop  }
0x4: {  	_ = 	snop  }
0x5: {  	_ = 	snop  }
0x6: {  	_ = 	snop  }
0x7: {  	_ = 	snop  }
__scs_overlays_trampoline_lowered:
0x8: {  	[smem:$0x3FAA] =	sst s0  }
0x9: {  	[smem:$0x3FAB] =	sst s1  }
0xa: {  	[smem:$0x3FAC] =	sst s2  }
0xb: {  	[smem:$0x3FAD] =	sst s3  }
0xc: {  	[smem:$0x3FAE] =	sst s4  }
0xd: {  	[smem:$0x3FAF] =	sst s5  }
0xe: {  	[smem:$0x3FB0] =	sst s6  }
0xf: {  	[smem:$0x3FB1] =	sst s7  }
0x10: {  	[smem:$0x3FB2] =	sst s8  }
0x11: {  	[smem:$0x3FB3] =	sst s9;
	s0 =	simm.s32 @!p0 $0x0  }
0x12: {  	s1 =	sld [smem:$0x3F99];
	s0 =	simm.s32 @p0 $0x1  }
0x13: {  	[smem:$0x3FB4] =	sst s0;
	s0 =	simm.s32 @!p1 $0x0  }
0x14: {  	s2 =	sld [smem:$0x3F98];
	s0 =	simm.s32 @p1 $0x1  }
0x15: {  	[smem:$0x3FB5] =	sst s0;
	s0 =	simm.s32 @!p2 $0x0  }
0x16: {  	s3 =	sld [smem:$0x3FDB];
	s0 =	simm.s32 @p2 $0x1  }
0x17: {  	s4 =	simm.s32 $0x1BF5;
	[smem:$0x3FB7] =	sst s0  }
0x18: {  	s0 =	sld [smem:$0x3F9A];
	_ =	swait.ge [sflag:s4], $0x0  }
0x19: {  	s7 =	sld [smem:$0x3F9B]  }
0x1a: {  	s8 =	sadd.s32 $0xFFFFE003, lr  }
0x1b: {  	s9 =	sadd.s32 $0xFFFFFEF7, lr;
	s5 =	simm.s32 $0xFFFFFFFF;
	p2 =	slt.u32 s8, $0xFFFFF086  }
0x1c: {  	p1 =	slt.u32 s9, $0xF7A;
	s5 =	simm.s32 @!p2 $0x0  }
0x1d: {  	s5 =	simm.s32 @p1 $0x1;
	p0 =	seq.s32 s7, s2  }
0x1e: {  	s7 =	smul.u32 @!p0 $0xF7A, s2;
	p2 =	seq.s32 @!p0 s5, $0x0  }
0x1f: {  	s9 =	smul.u32 $0xF7A, s1;
	s8 =	simm.s32 @!p0 $0x1BF5;
	p2 =	por !p2, p0  }
0x20: {  	[sflag:s8] =	ssyncset.s32 @!p0 $0xFFFFF086;
	s6 =	sadd.s32 @!p0 s3, s7;
	s7 =	simm.s32 @!p0 $0x108  }
0x21: {  	s3 =	sadd.s32 s3, s9;
	s6 =	sadd.s32 @!p0 $0x88, s6;
	s7 =	simm.s32 @p2 $0x1082  }
0x22: {  	[simem:s7], [sflag:s8] =	dma.local @!p0 [hbm:s6], $0xF7A  }
0x23: {  	s9 =	sor.u32 $0xD0000000, s2;
	s6 =	simm.s32 $0x108;
	_ =	swait.ge @!p0 [sflag:s8], $0x0  }
0x24: {  	s3 =	sadd.s32 $0x88, s3;
	s6 =	simm.s32 @!p1 $0x1082;
	[sflag:s4] =	ssyncset.s32 $0xFFFFF086  }
0x25: {  	[simem:s6], [sflag:s4] =	dma.local [hbm:s3], $0xF7A  }
0x26: {  	[smem:$0x3F9B] =	sst s1;
	(tag) =	ssettag s2;
	_ =	strace s9  }
0x27: {  	s1 =	sld [smem:$0x3FAB]  }
0x28: {  	s2 =	sld [smem:$0x3FAC]  }
0x29: {  	s4 =	sld [smem:$0x3FAE]  }
0x2a: {  	p0 =	seq.s32 s5, $0x0;
	s5 =	sld [smem:$0x3FAF]  }
0x2b: {  	s6 =	sld [smem:$0x3FB0]  }
0x2c: {  	s7 =	sld [smem:$0x3FB1]  }
0x2d: {  	s3 =	simm.s32 $0x108;
	s8 =	sld [smem:$0x3FB2]  }
0x2e: {  	s3 =	simm.s32 @!p0 $0x1082;
	s9 =	sld [smem:$0x3FB3]  }
0x2f: {  	lr =	sadd.s32 s0, s3;
	s0 =	sld [smem:$0x3FAA]  }
0x30: {  	s3 =	sld [smem:$0x3FAD]  }
0x31: {  	[smem:$0x3FB6] =	sst s10  }
0x32: {  	s10 =	sld [smem:$0x3FB4];
	_ =	sdelay $0x3  }
0x33: {  	p0 =	seq.s32 s10, $0x1;
	s10 =	sld [smem:$0x3FB6];
	_ =	sdelay $0x3  }
0x34: {  	[smem:$0x3FB6] =	sst s10  }
0x35: {  	s10 =	sld [smem:$0x3FB5];
	_ =	sdelay $0x3  }
0x36: {  	p1 =	seq.s32 s10, $0x1;
	s10 =	sld [smem:$0x3FB6];
	_ =	sdelay $0x3  }
0x37: {  	[smem:$0x3FB6] =	sst s10  }
0x38: {  	s10 =	sld [smem:$0x3FB7]  }
0x39: {  	_ = 	snop;
	(pc) =	sbr.ind lr, $3  }
0x3a: {  	_ = 	snop  }
0x3b: {  	_ = 	snop  }
0x3c: {  	p2 =	seq.s32 s10, $0x1;
	s10 =	sld [smem:$0x3FB6]  }
0x3d: {  	_ =	shalt  }
0x3e: {  	_ =	shalt  }
0x3f: {  	_ =	shalt  }
0x40: {  	_ =	shalt  }
0x41: {  	_ =	shalt  }
0x42: {  	_ =	shalt  }
0x43: {  	_ =	shalt  }
0x44: {  	_ =	shalt  }
0x45: {  	_ =	shalt  }
0x46: {  	_ =	shalt  }
0x47: {  	_ =	shalt  }
0x48: {  	_ =	shalt  }
0x49: {  	_ =	shalt  }
0x4a: {  	_ =	shalt  }
0x4b: {  	_ =	shalt  }
0x4c: {  	_ =	shalt  }
0x4d: {  	_ =	shalt  }
0x4e: {  	_ =	shalt  }
0x4f: {  	_ =	shalt  }
0x50: {  	_ =	shalt  }
0x51: {  	_ =	shalt  }
0x52: {  	_ =	shalt  }
0x53: {  	_ =	shalt  }
0x54: {  	_ =	shalt  }
0x55: {  	_ =	shalt  }
0x56: {  	_ =	shalt  }
0x57: {  	_ =	shalt  }
0x58: {  	_ =	shalt  }
0x59: {  	_ =	shalt  }
0x5a: {  	_ =	shalt  }
0x5b: {  	_ =	shalt  }
0x5c: {  	_ =	shalt  }
0x5d: {  	_ =	shalt  }
0x5e: {  	_ =	shalt  }
0x5f: {  	_ =	shalt  }
0x60: {  	_ =	shalt  }
0x61: {  	_ =	shalt  }
0x62: {  	_ =	shalt  }
0x63: {  	_ =	shalt  }
0x64: {  	_ =	shalt  }
0x65: {  	_ =	shalt  }
0x66: {  	_ =	shalt  }
0x67: {  	_ =	shalt  }
0x68: {  	_ =	shalt  }
0x69: {  	_ =	shalt  }
0x6a: {  	_ =	shalt  }
0x6b: {  	_ =	shalt  }
0x6c: {  	_ =	shalt  }
0x6d: {  	_ =	shalt  }
0x6e: {  	_ =	shalt  }
0x6f: {  	_ =	shalt  }
0x70: {  	_ =	shalt  }
0x71: {  	_ =	shalt  }
0x72: {  	_ =	shalt  }
0x73: {  	_ =	shalt  }
0x74: {  	_ =	shalt  }
0x75: {  	_ =	shalt  }
0x76: {  	_ =	shalt  }
0x77: {  	_ =	shalt  }
0x78: {  	_ =	shalt  }
0x79: {  	_ =	shalt  }
0x7a: {  	_ =	shalt  }
0x7b: {  	_ =	shalt  }
0x7c: {  	_ =	shalt  }
0x7d: {  	_ =	shalt  }
0x7e: {  	_ =	shalt  }
0x7f: {  	_ =	shalt  }
0x80: {  	_ =	shalt  }
0x81: {  	_ =	shalt  }
0x82: {  	_ =	shalt  }
0x83: {  	_ =	shalt  }
0x84: {  	_ =	shalt  }
0x85: {  	_ =	shalt  }
0x86: {  	_ =	shalt  }
0x87: {  	_ =	shalt  }
.Lfunc_end0:
.L_simem_size_0:
called_computation_lowered:
.L_overlay_start_0:
0x88: {  	s2 =	sld [smem:$0x3FD9]  }
0x89: {  	s3 =	sld [smem:$0x3FFE];
	_ =	sdelay $0x1  }
0x8a: {  	s1 =	srdreg.scid  }
0x8b: {  	s0 =	sand.u32 $0x1, s1  }
0x8c: {  	s17 =	sshll.u32 s0, $0xA;
	s2 =	sadd.s32 s3, s2  }
0x8d: {  	s2 =	sadd.s32 s2, s17  }
0x8e: {  	[smem:$0x3FC2] =	sst s2  }
0x8f: {  	_ = 	snop  }
0x90: {  	s18 =	sld [smem:$0x3FC5];
	(tm) =	ssettm $0x1  }
0x91: {  	s19 =	sld [smem:$0x3FFB];
	_ =	sdelay $0x3  }
0x92: {  	_ =	strace s19  }
0x93: {  	s2 =	sld [smem:$0x3FFC];
	_ =	sdelay $0x3  }
0x94: {  	_ =	strace s2  }
0x95: {  	s2 =	sld [smem:$0x3FFD];
	_ =	sdelay $0x3  }
0x96: {  	_ =	strace s2  }
0x97: {  	_ =	strace $0x8FFFFFFF  }
0x98: {  	s20 =	sld [smem:$0x3FDB];
	_ =	sdelay $0x1  }
0x99: {  	s4 =	simm.s32 $_scs_section_size  }
0x9a: {  	s5 =	simm.s32 $_size__tile_overlayer_lowered;
	s6 =	simm.s32 $_tile_overlayer_lowered  }
0x9b: {  	s7 =	simm.s32 $0x1BFF;
	s21 =	sshll.u32 s6, $0x1;
	s4 =	sadd.s32 s4, s20  }
0x9c: {  	s22 =	simm.s32 $0x0;
	s5 =	sshll.u32 s5, $0x1;
	s6 =	sadd.s32 s21, s4  }
0x9d: {  	[timem:s22], [sflag:s7] =	dma.local [hbm:s6], s5  }
0x9e: {  	_ =	swait.ge [sflag:s7], s5  }
0x9f: {  	s5 =	ssub.s32 $0x0, s5;
	[sflag:s7] =	ssyncset.done $0x0  }
0xa0: {  	[sflag:s7] =	ssyncadd.s32 s5;
	_ =	sdelay $0x1  }
0xa1: {  	s23 =	simm.s32 $0x1B8B  }
0xa2: {  	_ =	swait.ge [sflag:s23], $0x1  }
0xa3: {  	[sflag:s23] =	ssyncset.done $0x0  }
0xa4: {  	[sflag:s23] =	ssyncadd.s32 $0xFFFFFFFF  }
0xa5: {  	s5 =	sld [smem:$0x0]  }
0xa6: {  	s6 =	sand.u32 $0xFFFFFFFE, s1  }
0xa7: {  	p0 =	sne.s32 s1, s6  }
0xa8: {  	s6 =	sshll.u32 @p0 s6, $0xE  }
0xa9: {  	s6 =	sadd.s32 @p0 $0x11B8D, s6;
	s7 =	sshll.u32 @p0 s5, $0x11  }
0xaa: {  	s6 =	sor.u32 @p0 s7, s6  }
0xab: {  	[sflag:s6] =	ssyncadd.remote.s32 @p0 $0x1;
	_ =	sdelay $0x1  }
0xac: {  	s6 =	simm.s32 @p0 $0x1B8D  }
0xad: {  	_ =	swait.eq @p0 [sflag:s6], $0x1  }
0xae: {  	[sflag:s6] =	ssyncadd.s32 @p0 $0xFFFFFFFF  }
0xaf: {  	s7 =	sshll.u32 @!p0 s1, $0xE  }
0xb0: {  	s7 =	sor.u32 @!p0 $0x4000, s7;
	s6 =	simm.s32 @!p0 $0x1B8D  }
0xb1: {  	s5 =	sshll.u32 @!p0 s5, $0x11;
	s7 =	sadd.s32 @!p0 $0x11B8D, s7;
	_ =	swait.eq @!p0 [sflag:s6], $0x1  }
0xb2: {  	s5 =	sor.u32 @!p0 s5, s7;
	[sflag:s6] =	ssyncadd.s32 @!p0 $0xFFFFFFFF  }
0xb3: {  	s25 =	simm.s32 $0x1B8E;
	s24 =	sld [smem:$0x3FFE];
	[sflag:s5] =	ssyncadd.remote.s32 @!p0 $0x1  }
0xb4: {  	s26 =	simm.s32 $execute0_lowered;
	[smem:$0x3FD2] =	sst s25  }
0xb5: {  	s6 =	sshll.u32 s26, $0x1;
	_ =	strace $0x80000049;
	[dreg:$0x1] =	wrdreg $0xFFFFFFFF  }
0xb6: {  	s28 =	simm.s32 $_size_execute0_lowered;
	s4 =	sadd.s32 s4, s6;
	[dreg:$0x0] =	wrdreg $0x0  }
0xb7: {  	s6 =	sshll.u32 s28, $0x1;
	[dreg:$0x2] =	wrdreg s4  }
0xb8: {  	[dreg:$0x3] =	wrdreg s6  }
0xb9: {  	[dreg:$0x4] =	wrdreg $0xC0  }
0xba: {  	_ =	task [dreg:s22], $0x5FFFF  }
0xbb: {  	[dreg:$0x1] =	wrdreg $0xFFFFFFFF  }
0xbc: {  	[dreg:$0x0] =	wrdreg $0x60  }
0xbd: {  	[dreg:$0x2] =	wrdreg s18  }
0xbe: {  	[dreg:$0x3] =	wrdreg s24  }
0xbf: {  	[dreg:$0x4] =	wrdreg $0x9  }
0xc0: {  	_ =	task.clear_ibuf [dreg:s22], $0x5FFFF;
	_ =	strace $0x90000049  }
0xc1: {  	s29 =	simm.s32 $0x9;
	_ =	strace $0x8000004B  }
0xc2: {  	_ =	swait.ge [sflag:s29], $0x1  }
0xc3: {  	[sflag:s29] =	ssyncadd.s32 $0xFFFFFFFF  }
0xc4: {  	_ =	strace $0x9000004B  }
0xc5: {  	_ =	sfence  }
0xc6: {  	s30 =	sld [smem:$0x0];
	_ =	sdelay $0x2  }
0xc7: {  	s31 =	sshll.u32 s1, $0xD;
	s1 =	sshrl.u32 s1, $0x2  }
0xc8: {  	s4 =	sand.u32 $0x4000, s31;
	s1 =	sadd.s32 s1, s30  }
0xc9: {  	s0 =	sor.u32 s4, s0;
	s1 =	sshll.u32 s1, $0x11  }
0xca: {  	s0 =	sor.u32 s1, s0  }
0xcb: {  	s0 =	sadd.s32 $0x8F2B, s0  }
0xcc: {  	[sflag:s0] =	ssyncadd.remote.s32 $0x1  }
0xcd: {  	_ =	sfence.sel $0xFFFF  }
0xce: {  	[dreg:$0x0] =	wrdreg $0xFFFFFFFF;
	(pc) =	sbr.abs _section_cstart, $3  }
0xcf: {  	[dreg:$0x1] =	wrdreg $0xFFFFFFFF  }
0xd0: {  	_ =	task.clear_ibuf [dreg:s22], $0x2FFFF;
	_ =	strace $0x9FFFFFFF  }
0xd1: {  	(tm) =	ssettm $0x7FFFFFFF  }
tec
execute0_lowered:
.L_overlay_start_1:
0x0: {  	(tag) =	ssettag $0x1  }
0x1: {  	s1 =	srdreg.scid  }
0x2: {  	s2 =	rddreg [dreg:$0x0];
	s0 =	stileid.u32  }
0x3: {  	s11 =	rddreg [dreg:$0x1];
	s5 =	simm.s32 $0x2;
	s1 =	sshll.u32 s1, $0xA  }
0x4: {  	s9 =	simm.s32 $0x3;
	s3 =	sshll.u32 s0, $0xB;
	s4 =	sand.u32 $0x400, s1  }
0x5: {  	s13 =	simm.s32 $0x0;
	s15 =	simm.s32 $0x0;
	s3 =	sor.u32 s3, s4  }
0x6: {  	s14 =	simm.s32 $0x0;
	s1 =	rddreg [dreg:$0x2];
	s4 =	sshrl.u32 s3, $0x3  }
0x7: {  	_ =	strace $0x8000004A;
	s6 =	ssub.s32 $0x8000, s3;
	s8 =	sadd.s32 s4, s11  }
0x8: {  	s4 =	simm.s32 $0x1;
	s7 =	sand.u32 $0x7C00, s6;
	s10 =	sshrl.u32 s6, $0xF  }
.Ltmp0:
0x9: {  	s6 =	sadd.s32 $0x12A00, s11;
	[sflag:s4] =	ssyncpa.u1 $0x0;
	(pc) =	sbr.rel .LBB2_1-.Ltmp0, $4  }
0xa: {  	p0 =	sne.s32 s7, $0x0;
	s7 =	simm.s32 $0x1;
	s8 =	sadd.s32 $0x11A00, s8  }
0xb: {  	[sflag:s5] =	ssyncpa.u1 $0x0;
	s7 =	simm.s32 @!p0 $0x0;
	p0 =	por $0x0, $0x0  }
0xc: {  	[sflag:s9] =	ssyncpa.u1 $0x0;
	s7 =	sadd.s32 s7, s10;
	s9 =	sadd.s32 $0x1AA00, s11  }
0xd: {  	vm0 =	vmmov $0xffff;
	s10 =	sadd.s32 $0x22A00, s11;
	s11 =	sadd.s32 $0x2AA00, s11;
	s12 =	sadd.s32 $0x1, s7  }
.LBB2_4:
0xe: {  	_ =	sdelay $0x3  }
0xf: {  	[tilespmem:s21], [sflag:$0x1] =	stream.indirect_vreg.gather [hbm4b:s2+s13], $0x1, v0, vm0, $0x4038;
	[tilespmem:$0x10800] =	vst v63  }
0x10: {  	s18 =	sshll.u32 s15, $0x3  }
0x11: {  	s24 =	sand.u32 $0x78, s15;
	s18 =	sand.u32 $0x7FFFFC00, s18  }
0x12: {  	_ =	swait.ge [sflag:s4], $0x8000;
	s15 =	sor.u32 s24, s18  }
0x13: {  	[sflag:s4] =	ssyncset.done $0x0;
	s15 =	sshrl.u32 s15, $0x3  }
0x14: {  	[sflag:s4] =	ssyncadd.s32 $0xFFFF8000;
	s25 =	sadd.s32 s6, s15  }
0x15: {  	[hbm:s25] =	stream.linear.scatter [tilespmem:s17], [sflag:$0x3], $0x2000, $0x38;
	[tilespmem:$0x10800] =	vst v63  }
0x16: {  	s26 =	sadd.s32 $0x2800, s16;
	s28 =	sadd.s32 s15, s9  }
0x17: {  	[hbm:s28] =	stream.linear.scatter [tilespmem:s26], [sflag:$0x3], $0x2000, $0x38;
	[tilespmem:$0x10800] =	vst v63  }
0x18: {  	s29 =	sadd.s32 $0x4800, s16;
	s30 =	sadd.s32 s15, s10  }
0x19: {  	[hbm:s30] =	stream.linear.scatter [tilespmem:s29], [sflag:$0x3], $0x2000, $0x38;
	[tilespmem:$0x10800] =	vst v63  }
0x1a: {  	s31 =	sadd.s32 $0x6800, s16;
	s15 =	sadd.s32 s15, s11  }
0x1b: {  	[hbm:s15] =	stream.linear.scatter [tilespmem:s31], [sflag:$0x3], $0x2000, $0x38;
	[tilespmem:$0x10800] =	vst v63  }
.LBB2_5:
0x1c: {  	p2 =	sne.s32 s14, s12  }
.Ltmp1:
0x1d: {  	p1 =	slt.u32 s14, $0x2;
	(pc) =	sbr.rel @!p2 .LBB2_6-.Ltmp1, $4  }
0x1e: {  	s15 =	simm.s32 @!p1 $0x3  }
0x1f: {  	_ =	swait.ge @!p1 [sflag:s15], $0x8000  }
0x20: {  	s16 =	sadd.s32 $0x1, s14;
	p0 =	por !p0, !p0;
	[sflag:s15] =	ssyncset.done @!p1 $0x0  }
0x21: {  	s14 =	smov.u32 s16;
	[sflag:s15] =	ssyncadd.s32 @!p1 $0xFFFF8000;
	s15 =	smov.u32 s3  }
.LBB2_1:
0x22: {  	p1 =	sge.u32 s14, s7  }
0x23: {  	s16 =	sxor.u32 @!p1 $0xFFFFFFFF, s14  }
0x24: {  	s16 =	sshll.u32 @!p1 s16, $0xA  }
0x25: {  	s31 =	sadd.s32 $0xFFFFFFFF, s14;
	s17 =	simm.s32 @!p1 $0x0;
	s16 =	sand.u32 @!p1 $0x400, s16  }
0x26: {  	[tilespmem:s16], [sflag:$0x2] =	stream.linear.gather @!p1 [hbm4b:s8+s17], $0x400, $0x38;
	[tilespmem:$0x10800] =	vst v63  }
0x27: {  	p1 =	sge.u32 s31, s7  }
.Ltmp2:
0x28: {  	_ = 	snop;
	(pc) =	sbr.rel @p1 .LBB2_5-.Ltmp2, $1  }
0x29: {  	_ =	sdelay $0x3  }
0x2a: {  	s16 =	simm.s32 $0x1;
	_ =	swait.ge [sflag:s5], $0x400  }
0x2b: {  	s16 =	simm.s32 @!p0 $0x0;
	[sflag:s5] =	ssyncset.done $0x0  }
0x2c: {  	s19 =	sshll.u32 s16, $0xA;
	[sflag:s5] =	ssyncadd.s32 $0xFFFFFC00  }
0x2d: {  	v0 =	vld.msk [tilespmem:s19+$0x0 ss:$0x1], $0xffff;
	_ =	sdelay $0x4  }
0x2e: {  	vm1 =	vgt.s32 v0, $0x0  }
0x2f: {  	v0 =	vnsel vm1, $0x0, v0  }
0x30: {  	v0 =	vmin.u32 v0, $0xF423F  }
0x31: {  	v1 =	vshll.u32 v0, $0x3  }
0x32: {  	v0 =	vand.u32 $0x7F, v0;
	v1 =	vand.u32 $0x7FFC00, v1  }
0x33: {  	s22 =	sshll.u32 s14, $0xF;
	v0 =	vor.u32 v0, v1  }
0x34: {  	s18 =	simm.s32 $0x0;
	s16 =	sand.u32 $0x8000, s22  }
0x35: {  	s20 =	sand.u32 $0x1C00, s18;
	s17 =	sor.u32 $0x800, s16  }
0x36: {  	s21 =	sand.u32 $0x70, s18;
	(ifvalue) =	ssetifvalue $0x7FFFFFFF;
	s20 =	sadd.s32 s20, s17;
	v1 =	vor.u32 $0x80, v0  }
0x37: {  	(ifvalue) =	ssetifvalue $0x7FFFFFFF;
	s20 =	sadd.s32 s21, s20  }
0x38: {  	[tilespmem:s20], [sflag:$0x1] =	stream.indirect_vreg.gather [hbm4b:s2+s13], $0x1, v0, vm0, $0x4038;
	[tilespmem:$0x10800] =	vst v63  }
0x39: {  	v2 =	vor.u32 $0x100, v0;
	(ifvalue) =	ssetifvalue $0x7FFFFFFF  }
0x3a: {  	s21 =	sadd.s32 $0x80, s20;
	(ifvalue) =	ssetifvalue $0x7FFFFFFF  }
0x3b: {  	[tilespmem:s21], [sflag:$0x1] =	stream.indirect_vreg.gather [hbm4b:s2+s13], $0x1, v1, vm0, $0x4038;
	[tilespmem:$0x10800] =	vst v63  }
0x3c: {  	v1 =	vor.u32 $0x180, v0;
	(ifvalue) =	ssetifvalue $0x7FFFFFFF  }
0x3d: {  	s23 =	sadd.s32 $0x100, s20;
	(ifvalue) =	ssetifvalue $0x7FFFFFFF  }
0x3e: {  	[tilespmem:s23], [sflag:$0x1] =	stream.indirect_vreg.gather [hbm4b:s2+s13], $0x1, v2, vm0, $0x4038;
	[tilespmem:$0x10800] =	vst v63  }
0x3f: {  	v2 =	vor.u32 $0x200, v0;
	(ifvalue) =	ssetifvalue $0x7FFFFFFF  }
0x40: {  	s24 =	sadd.s32 $0x180, s20;
	(ifvalue) =	ssetifvalue $0x7FFFFFFF  }
0x41: {  	[tilespmem:s24], [sflag:$0x1] =	stream.indirect_vreg.gather [hbm4b:s2+s13], $0x1, v1, vm0, $0x4038;
	[tilespmem:$0x10800] =	vst v63  }
0x42: {  	(ifvalue) =	ssetifvalue $0x7FFFFFFF;
	v1 =	vor.u32 $0x280, v0  }
0x43: {  	s25 =	sadd.s32 $0x200, s20;
	(ifvalue) =	ssetifvalue $0x7FFFFFFF  }
0x44: {  	[tilespmem:s25], [sflag:$0x1] =	stream.indirect_vreg.gather [hbm4b:s2+s13], $0x1, v2, vm0, $0x4038;
	[tilespmem:$0x10800] =	vst v63  }
0x45: {  	(ifvalue) =	ssetifvalue $0x7FFFFFFF;
	v2 =	vor.u32 $0x300, v0  }
0x46: {  	s26 =	sadd.s32 $0x280, s20;
	(ifvalue) =	ssetifvalue $0x7FFFFFFF  }
0x47: {  	[tilespmem:s26], [sflag:$0x1] =	stream.indirect_vreg.gather [hbm4b:s2+s13], $0x1, v1, vm0, $0x4038;
	[tilespmem:$0x10800] =	vst v63  }
0x48: {  	(ifvalue) =	ssetifvalue $0x7FFFFFFF;
	v1 =	vor.u32 $0x380, v0  }
0x49: {  	s18 =	sor.u32 s18, s18;
	s28 =	sadd.s32 $0x300, s20;
	(ifvalue) =	ssetifvalue $0x7FFFFFFF  }
0x4a: {  	[tilespmem:s28], [sflag:$0x1] =	stream.indirect_vreg.gather [hbm4b:s2+s13], $0x1, v2, vm0, $0x4038;
	[tilespmem:$0x10800] =	vst v63  }
0x4b: {  	s18 =	sor.u32 $0x380, s18;
	(ifvalue) =	ssetifvalue $0x7FFFFFFF;
	v2 =	vadd.s32 $0x7A1400, v0  }
0x4c: {  	s18 =	sadd.s32 s18, s17;
	(ifvalue) =	ssetifvalue $0x7FFFFFFF  }
0x4d: {  	[tilespmem:s18], [sflag:$0x1] =	stream.indirect_vreg.gather [hbm4b:s2+s13], $0x1, v1, vm0, $0x4038;
	[tilespmem:$0x10800] =	vst v63  }
0x4e: {  	(ifvalue) =	ssetifvalue $0x7FFFFFFF;
	v1 =	vadd.s32 $0x7A1480, v0  }
0x4f: {  	s29 =	sadd.s32 $0x2000, s20;
	(ifvalue) =	ssetifvalue $0x7FFFFFFF  }
0x50: {  	[tilespmem:s29], [sflag:$0x1] =	stream.indirect_vreg.gather [hbm4b:s2+s13], $0x1, v2, vm0, $0x4038;
	[tilespmem:$0x10800] =	vst v63  }
0x51: {  	(ifvalue) =	ssetifvalue $0x7FFFFFFF;
	v2 =	vadd.s32 $0x7A1500, v0  }
0x52: {  	s30 =	sadd.s32 $0x2080, s20;
	(ifvalue) =	ssetifvalue $0x7FFFFFFF  }
0x53: {  	[tilespmem:s30], [sflag:$0x1] =	stream.indirect_vreg.gather [hbm4b:s2+s13], $0x1, v1, vm0, $0x4038;
	[tilespmem:$0x10800] =	vst v63  }
0x54: {  	(ifvalue) =	ssetifvalue $0x7FFFFFFF;
	v1 =	vadd.s32 $0x7A1580, v0  }
0x55: {  	s31 =	sadd.s32 $0x2100, s20;
	(ifvalue) =	ssetifvalue $0x7FFFFFFF  }
0x56: {  	[tilespmem:s31], [sflag:$0x1] =	stream.indirect_vreg.gather [hbm4b:s2+s13], $0x1, v2, vm0, $0x4038;
	[tilespmem:$0x10800] =	vst v63  }
0x57: {  	(ifvalue) =	ssetifvalue $0x7FFFFFFF;
	v2 =	vadd.s32 $0x7A1600, v0  }
0x58: {  	s21 =	sadd.s32 $0x2180, s20;
	(ifvalue) =	ssetifvalue $0x7FFFFFFF  }
0x59: {  	[tilespmem:s21], [sflag:$0x1] =	stream.indirect_vreg.gather [hbm4b:s2+s13], $0x1, v1, vm0, $0x4038;
	[tilespmem:$0x10800] =	vst v63  }
0x5a: {  	(ifvalue) =	ssetifvalue $0x7FFFFFFF;
	v1 =	vadd.s32 $0x7A1680, v0  }
0x5b: {  	s22 =	sadd.s32 $0x2200, s20;
	(ifvalue) =	ssetifvalue $0x7FFFFFFF  }
0x5c: {  	[tilespmem:s22], [sflag:$0x1] =	stream.indirect_vreg.gather [hbm4b:s2+s13], $0x1, v2, vm0, $0x4038;
	[tilespmem:$0x10800] =	vst v63  }
0x5d: {  	(ifvalue) =	ssetifvalue $0x7FFFFFFF;
	v2 =	vadd.s32 $0x7A1700, v0  }
0x5e: {  	s23 =	sadd.s32 $0x2280, s20;
	(ifvalue) =	ssetifvalue $0x7FFFFFFF  }
0x5f: {  	[tilespmem:s23], [sflag:$0x1] =	stream.indirect_vreg.gather [hbm4b:s2+s13], $0x1, v1, vm0, $0x4038;
	[tilespmem:$0x10800] =	vst v63  }
0x60: {  	(ifvalue) =	ssetifvalue $0x7FFFFFFF;
	v1 =	vadd.s32 $0x7A1780, v0  }
0x61: {  	s24 =	sadd.s32 $0x2300, s20;
	(ifvalue) =	ssetifvalue $0x7FFFFFFF  }
0x62: {  	[tilespmem:s24], [sflag:$0x1] =	stream.indirect_vreg.gather [hbm4b:s2+s13], $0x1, v2, vm0, $0x4038;
	[tilespmem:$0x10800] =	vst v63  }
0x63: {  	(ifvalue) =	ssetifvalue $0x7FFFFFFF;
	v2 =	vadd.s32 $0xF42800, v0  }
0x64: {  	s25 =	sadd.s32 $0x2380, s20;
	(ifvalue) =	ssetifvalue $0x7FFFFFFF  }
0x65: {  	[tilespmem:s25], [sflag:$0x1] =	stream.indirect_vreg.gather [hbm4b:s2+s13], $0x1, v1, vm0, $0x4038;
	[tilespmem:$0x10800] =	vst v63  }
0x66: {  	(ifvalue) =	ssetifvalue $0x7FFFFFFF;
	v1 =	vadd.s32 $0xF42880, v0  }
0x67: {  	s26 =	sadd.s32 $0x4000, s20;
	(ifvalue) =	ssetifvalue $0x7FFFFFFF  }
0x68: {  	[tilespmem:s26], [sflag:$0x1] =	stream.indirect_vreg.gather [hbm4b:s2+s13], $0x1, v2, vm0, $0x4038;
	[tilespmem:$0x10800] =	vst v63  }
0x69: {  	(ifvalue) =	ssetifvalue $0x7FFFFFFF;
	v2 =	vadd.s32 $0xF42900, v0  }
0x6a: {  	s28 =	sadd.s32 $0x4080, s20;
	(ifvalue) =	ssetifvalue $0x7FFFFFFF  }
0x6b: {  	[tilespmem:s28], [sflag:$0x1] =	stream.indirect_vreg.gather [hbm4b:s2+s13], $0x1, v1, vm0, $0x4038;
	[tilespmem:$0x10800] =	vst v63  }
0x6c: {  	(ifvalue) =	ssetifvalue $0x7FFFFFFF;
	v1 =	vadd.s32 $0xF42980, v0  }
0x6d: {  	s29 =	sadd.s32 $0x4100, s20;
	(ifvalue) =	ssetifvalue $0x7FFFFFFF  }
0x6e: {  	[tilespmem:s29], [sflag:$0x1] =	stream.indirect_vreg.gather [hbm4b:s2+s13], $0x1, v2, vm0, $0x4038;
	[tilespmem:$0x10800] =	vst v63  }
0x6f: {  	(ifvalue) =	ssetifvalue $0x7FFFFFFF;
	v2 =	vadd.s32 $0xF42A00, v0  }
0x70: {  	s30 =	sadd.s32 $0x4180, s20;
	(ifvalue) =	ssetifvalue $0x7FFFFFFF  }
0x71: {  	[tilespmem:s30], [sflag:$0x1] =	stream.indirect_vreg.gather [hbm4b:s2+s13], $0x1, v1, vm0, $0x4038;
	[tilespmem:$0x10800] =	vst v63  }
0x72: {  	(ifvalue) =	ssetifvalue $0x7FFFFFFF;
	v1 =	vadd.s32 $0xF42A80, v0  }
0x73: {  	s31 =	sadd.s32 $0x4200, s20;
	(ifvalue) =	ssetifvalue $0x7FFFFFFF  }
0x74: {  	[tilespmem:s31], [sflag:$0x1] =	stream.indirect_vreg.gather [hbm4b:s2+s13], $0x1, v2, vm0, $0x4038;
	[tilespmem:$0x10800] =	vst v63  }
0x75: {  	(ifvalue) =	ssetifvalue $0x7FFFFFFF;
	v2 =	vadd.s32 $0xF42B00, v0  }
0x76: {  	s21 =	sadd.s32 $0x4280, s20;
	(ifvalue) =	ssetifvalue $0x7FFFFFFF  }
0x77: {  	[tilespmem:s21], [sflag:$0x1] =	stream.indirect_vreg.gather [hbm4b:s2+s13], $0x1, v1, vm0, $0x4038;
	[tilespmem:$0x10800] =	vst v63  }
0x78: {  	(ifvalue) =	ssetifvalue $0x7FFFFFFF;
	v1 =	vadd.s32 $0xF42B80, v0  }
0x79: {  	s22 =	sadd.s32 $0x4300, s20;
	(ifvalue) =	ssetifvalue $0x7FFFFFFF  }
0x7a: {  	[tilespmem:s22], [sflag:$0x1] =	stream.indirect_vreg.gather [hbm4b:s2+s13], $0x1, v2, vm0, $0x4038;
	[tilespmem:$0x10800] =	vst v63  }
0x7b: {  	(ifvalue) =	ssetifvalue $0x7FFFFFFF;
	v2 =	vadd.s32 $0x16E3C00, v0  }
0x7c: {  	s23 =	sadd.s32 $0x4380, s20;
	(ifvalue) =	ssetifvalue $0x7FFFFFFF  }
0x7d: {  	[tilespmem:s23], [sflag:$0x1] =	stream.indirect_vreg.gather [hbm4b:s2+s13], $0x1, v1, vm0, $0x4038;
	[tilespmem:$0x10800] =	vst v63  }
0x7e: {  	(ifvalue) =	ssetifvalue $0x7FFFFFFF;
	v1 =	vadd.s32 $0x16E3C80, v0  }
0x7f: {  	s24 =	sadd.s32 $0x6000, s20;
	(ifvalue) =	ssetifvalue $0x7FFFFFFF  }
0x80: {  	[tilespmem:s24], [sflag:$0x1] =	stream.indirect_vreg.gather [hbm4b:s2+s13], $0x1, v2, vm0, $0x4038;
	[tilespmem:$0x10800] =	vst v63  }
0x81: {  	(ifvalue) =	ssetifvalue $0x7FFFFFFF;
	v2 =	vadd.s32 $0x16E3D00, v0  }
0x82: {  	s25 =	sadd.s32 $0x6080, s20;
	(ifvalue) =	ssetifvalue $0x7FFFFFFF  }
0x83: {  	[tilespmem:s25], [sflag:$0x1] =	stream.indirect_vreg.gather [hbm4b:s2+s13], $0x1, v1, vm0, $0x4038;
	[tilespmem:$0x10800] =	vst v63  }
0x84: {  	(ifvalue) =	ssetifvalue $0x7FFFFFFF;
	v1 =	vadd.s32 $0x16E3D80, v0  }
0x85: {  	s26 =	sadd.s32 $0x6100, s20;
	(ifvalue) =	ssetifvalue $0x7FFFFFFF  }
0x86: {  	[tilespmem:s26], [sflag:$0x1] =	stream.indirect_vreg.gather [hbm4b:s2+s13], $0x1, v2, vm0, $0x4038;
	[tilespmem:$0x10800] =	vst v63  }
0x87: {  	(ifvalue) =	ssetifvalue $0x7FFFFFFF;
	v2 =	vadd.s32 $0x16E3E00, v0  }
0x88: {  	s28 =	sadd.s32 $0x6180, s20;
	(ifvalue) =	ssetifvalue $0x7FFFFFFF  }
0x89: {  	[tilespmem:s28], [sflag:$0x1] =	stream.indirect_vreg.gather [hbm4b:s2+s13], $0x1, v1, vm0, $0x4038;
	[tilespmem:$0x10800] =	vst v63  }
0x8a: {  	(ifvalue) =	ssetifvalue $0x7FFFFFFF;
	v1 =	vadd.s32 $0x16E3E80, v0  }
0x8b: {  	s29 =	sadd.s32 $0x6200, s20;
	(ifvalue) =	ssetifvalue $0x7FFFFFFF  }
0x8c: {  	[tilespmem:s29], [sflag:$0x1] =	stream.indirect_vreg.gather [hbm4b:s2+s13], $0x1, v2, vm0, $0x4038;
	[tilespmem:$0x10800] =	vst v63  }
0x8d: {  	(ifvalue) =	ssetifvalue $0x7FFFFFFF;
	v2 =	vadd.s32 $0x16E3F00, v0  }
0x8e: {  	s30 =	sadd.s32 $0x6280, s20;
	(ifvalue) =	ssetifvalue $0x7FFFFFFF  }
0x8f: {  	[tilespmem:s30], [sflag:$0x1] =	stream.indirect_vreg.gather [hbm4b:s2+s13], $0x1, v1, vm0, $0x4038;
	[tilespmem:$0x10800] =	vst v63  }
0x90: {  	v0 =	vadd.s32 $0x16E3F80, v0;
	(ifvalue) =	ssetifvalue $0x7FFFFFFF  }
0x91: {  	s31 =	sadd.s32 $0x6300, s20;
	(ifvalue) =	ssetifvalue $0x7FFFFFFF  }
0x92: {  	[tilespmem:s31], [sflag:$0x1] =	stream.indirect_vreg.gather [hbm4b:s2+s13], $0x1, v2, vm0, $0x4038;
	[tilespmem:$0x10800] =	vst v63  }
0x93: {  	s19 =	sadd.s32 $0x10, s19;
	s18 =	simm.s32 $0x10;
	(ifvalue) =	ssetifvalue $0x7FFFFFFF  }
0x94: {  	s21 =	sadd.s32 $0x6380, s20;
	s20 =	simm.s32 $0x80;
	(ifvalue) =	ssetifvalue $0x7FFFFFFF  }
.LBB2_3:
0x95: {  	[tilespmem:s21], [sflag:$0x1] =	stream.indirect_vreg.gather [hbm4b:s2+s13], $0x1, v0, vm0, $0x4038;
	[tilespmem:$0x10800] =	vst v63  }
0x96: {  	p1 =	sne.s32 s18, $0x3F0;
	s22 =	smov.u32 s18;
	s18 =	sadd.s32 $0x10, s18;
	v0 =	vld.msk [tilespmem:s19+$0x0 ss:$0x1], $0xffff  }
0x97: {  	(ifvalue) =	ssetifvalue $0x7FFFFFFF;
	_ =	sdelay $0x4  }
0x98: {  	vm1 =	vgt.s32 v0, $0x0  }
0x99: {  	v0 =	vnsel vm1, $0x0, v0  }
0x9a: {  	v0 =	vmin.u32 v0, $0xF423F  }
0x9b: {  	v1 =	vshll.u32 v0, $0x3  }
0x9c: {  	v0 =	vand.u32 $0x7F, v0;
	v1 =	vand.u32 $0x7FFC00, v1  }
0x9d: {  	v0 =	vor.u32 v0, v1;
	_ =	sdelay $0x1  }
0x9e: {  	s21 =	sand.u32 $0x1C00, s20  }
0x9f: {  	s23 =	sand.u32 $0x70, s22;
	s21 =	sadd.s32 s21, s17;
	v1 =	vor.u32 $0x80, v0  }
0xa0: {  	s21 =	sadd.s32 s23, s21;
	(ifvalue) =	ssetifvalue $0x7FFFFFFF  }
0xa1: {  	[tilespmem:s21], [sflag:$0x1] =	stream.indirect_vreg.gather [hbm4b:s2+s13], $0x1, v0, vm0, $0x4038;
	[tilespmem:$0x10800] =	vst v63  }
0xa2: {  	v2 =	vor.u32 $0x100, v0;
	(ifvalue) =	ssetifvalue $0x7FFFFFFF  }
0xa3: {  	s23 =	sadd.s32 $0x80, s21;
	(ifvalue) =	ssetifvalue $0x7FFFFFFF  }
0xa4: {  	[tilespmem:s23], [sflag:$0x1] =	stream.indirect_vreg.gather [hbm4b:s2+s13], $0x1, v1, vm0, $0x4038;
	[tilespmem:$0x10800] =	vst v63  }
0xa5: {  	v1 =	vor.u32 $0x180, v0;
	(ifvalue) =	ssetifvalue $0x7FFFFFFF  }
0xa6: {  	s23 =	sadd.s32 $0x100, s21;
	(ifvalue) =	ssetifvalue $0x7FFFFFFF  }
0xa7: {  	[tilespmem:s23], [sflag:$0x1] =	stream.indirect_vreg.gather [hbm4b:s2+s13], $0x1, v2, vm0, $0x4038;
	[tilespmem:$0x10800] =	vst v63  }
0xa8: {  	v2 =	vor.u32 $0x200, v0;
	(ifvalue) =	ssetifvalue $0x7FFFFFFF  }
0xa9: {  	s23 =	sadd.s32 $0x180, s21;
	(ifvalue) =	ssetifvalue $0x7FFFFFFF  }
0xaa: {  	[tilespmem:s23], [sflag:$0x1] =	stream.indirect_vreg.gather [hbm4b:s2+s13], $0x1, v1, vm0, $0x4038;
	[tilespmem:$0x10800] =	vst v63  }
0xab: {  	v1 =	vor.u32 $0x280, v0;
	(ifvalue) =	ssetifvalue $0x7FFFFFFF  }
0xac: {  	s23 =	sadd.s32 $0x200, s21;
	(ifvalue) =	ssetifvalue $0x7FFFFFFF  }
0xad: {  	[tilespmem:s23], [sflag:$0x1] =	stream.indirect_vreg.gather [hbm4b:s2+s13], $0x1, v2, vm0, $0x4038;
	[tilespmem:$0x10800] =	vst v63  }
0xae: {  	v2 =	vor.u32 $0x300, v0;
	(ifvalue) =	ssetifvalue $0x7FFFFFFF  }
0xaf: {  	s23 =	sadd.s32 $0x280, s21;
	(ifvalue) =	ssetifvalue $0x7FFFFFFF  }
0xb0: {  	[tilespmem:s23], [sflag:$0x1] =	stream.indirect_vreg.gather [hbm4b:s2+s13], $0x1, v1, vm0, $0x4038;
	[tilespmem:$0x10800] =	vst v63  }
0xb1: {  	v1 =	vor.u32 $0x380, v0;
	(ifvalue) =	ssetifvalue $0x7FFFFFFF  }
0xb2: {  	s22 =	sor.u32 s20, s22;
	s23 =	sadd.s32 $0x300, s21;
	(ifvalue) =	ssetifvalue $0x7FFFFFFF  }
0xb3: {  	[tilespmem:s23], [sflag:$0x1] =	stream.indirect_vreg.gather [hbm4b:s2+s13], $0x1, v2, vm0, $0x4038;
	[tilespmem:$0x10800] =	vst v63  }
0xb4: {  	s22 =	sor.u32 $0x380, s22;
	v2 =	vadd.s32 $0x7A1400, v0;
	(ifvalue) =	ssetifvalue $0x7FFFFFFF  }
0xb5: {  	s22 =	sadd.s32 s22, s17;
	(ifvalue) =	ssetifvalue $0x7FFFFFFF  }
0xb6: {  	[tilespmem:s22], [sflag:$0x1] =	stream.indirect_vreg.gather [hbm4b:s2+s13], $0x1, v1, vm0, $0x4038;
	[tilespmem:$0x10800] =	vst v63  }
0xb7: {  	v1 =	vadd.s32 $0x7A1480, v0;
	(ifvalue) =	ssetifvalue $0x7FFFFFFF  }
0xb8: {  	s22 =	sadd.s32 $0x2000, s21;
	(ifvalue) =	ssetifvalue $0x7FFFFFFF  }
0xb9: {  	[tilespmem:s22], [sflag:$0x1] =	stream.indirect_vreg.gather [hbm4b:s2+s13], $0x1, v2, vm0, $0x4038;
	[tilespmem:$0x10800] =	vst v63  }
0xba: {  	v2 =	vadd.s32 $0x7A1500, v0;
	(ifvalue) =	ssetifvalue $0x7FFFFFFF  }
0xbb: {  	s22 =	sadd.s32 $0x2080, s21;
	(ifvalue) =	ssetifvalue $0x7FFFFFFF  }
0xbc: {  	[tilespmem:s22], [sflag:$0x1] =	stream.indirect_vreg.gather [hbm4b:s2+s13], $0x1, v1, vm0, $0x4038;
	[tilespmem:$0x10800] =	vst v63  }
0xbd: {  	v1 =	vadd.s32 $0x7A1580, v0;
	(ifvalue) =	ssetifvalue $0x7FFFFFFF  }
0xbe: {  	s22 =	sadd.s32 $0x2100, s21;
	(ifvalue) =	ssetifvalue $0x7FFFFFFF  }
0xbf: {  	[tilespmem:s22], [sflag:$0x1] =	stream.indirect_vreg.gather [hbm4b:s2+s13], $0x1, v2, vm0, $0x4038;
	[tilespmem:$0x10800] =	vst v63  }
0xc0: {  	v2 =	vadd.s32 $0x7A1600, v0;
	(ifvalue) =	ssetifvalue $0x7FFFFFFF  }
0xc1: {  	s22 =	sadd.s32 $0x2180, s21;
	(ifvalue) =	ssetifvalue $0x7FFFFFFF  }
0xc2: {  	[tilespmem:s22], [sflag:$0x1] =	stream.indirect_vreg.gather [hbm4b:s2+s13], $0x1, v1, vm0, $0x4038;
	[tilespmem:$0x10800] =	vst v63  }
0xc3: {  	v1 =	vadd.s32 $0x7A1680, v0;
	(ifvalue) =	ssetifvalue $0x7FFFFFFF  }
0xc4: {  	s22 =	sadd.s32 $0x2200, s21;
	(ifvalue) =	ssetifvalue $0x7FFFFFFF  }
0xc5: {  	[tilespmem:s22], [sflag:$0x1] =	stream.indirect_vreg.gather [hbm4b:s2+s13], $0x1, v2, vm0, $0x4038;
	[tilespmem:$0x10800] =	vst v63  }
0xc6: {  	v2 =	vadd.s32 $0x7A1700, v0;
	(ifvalue) =	ssetifvalue $0x7FFFFFFF  }
0xc7: {  	s22 =	sadd.s32 $0x2280, s21;
	(ifvalue) =	ssetifvalue $0x7FFFFFFF  }
0xc8: {  	[tilespmem:s22], [sflag:$0x1] =	stream.indirect_vreg.gather [hbm4b:s2+s13], $0x1, v1, vm0, $0x4038;
	[tilespmem:$0x10800] =	vst v63  }
0xc9: {  	v1 =	vadd.s32 $0x7A1780, v0;
	(ifvalue) =	ssetifvalue $0x7FFFFFFF  }
0xca: {  	s22 =	sadd.s32 $0x2300, s21;
	(ifvalue) =	ssetifvalue $0x7FFFFFFF  }
0xcb: {  	[tilespmem:s22], [sflag:$0x1] =	stream.indirect_vreg.gather [hbm4b:s2+s13], $0x1, v2, vm0, $0x4038;
	[tilespmem:$0x10800] =	vst v63  }
0xcc: {  	v2 =	vadd.s32 $0xF42800, v0;
	(ifvalue) =	ssetifvalue $0x7FFFFFFF  }
0xcd: {  	s22 =	sadd.s32 $0x2380, s21;
	(ifvalue) =	ssetifvalue $0x7FFFFFFF  }
0xce: {  	[tilespmem:s22], [sflag:$0x1] =	stream.indirect_vreg.gather [hbm4b:s2+s13], $0x1, v1, vm0, $0x4038;
	[tilespmem:$0x10800] =	vst v63  }
0xcf: {  	v1 =	vadd.s32 $0xF42880, v0;
	(ifvalue) =	ssetifvalue $0x7FFFFFFF  }
0xd0: {  	s22 =	sadd.s32 $0x4000, s21;
	(ifvalue) =	ssetifvalue $0x7FFFFFFF  }
0xd1: {  	[tilespmem:s22], [sflag:$0x1] =	stream.indirect_vreg.gather [hbm4b:s2+s13], $0x1, v2, vm0, $0x4038;
	[tilespmem:$0x10800] =	vst v63  }
0xd2: {  	v2 =	vadd.s32 $0xF42900, v0;
	(ifvalue) =	ssetifvalue $0x7FFFFFFF  }
0xd3: {  	s22 =	sadd.s32 $0x4080, s21;
	(ifvalue) =	ssetifvalue $0x7FFFFFFF  }
0xd4: {  	[tilespmem:s22], [sflag:$0x1] =	stream.indirect_vreg.gather [hbm4b:s2+s13], $0x1, v1, vm0, $0x4038;
	[tilespmem:$0x10800] =	vst v63  }
0xd5: {  	v1 =	vadd.s32 $0xF42980, v0;
	(ifvalue) =	ssetifvalue $0x7FFFFFFF  }
0xd6: {  	s22 =	sadd.s32 $0x4100, s21;
	(ifvalue) =	ssetifvalue $0x7FFFFFFF  }
0xd7: {  	[tilespmem:s22], [sflag:$0x1] =	stream.indirect_vreg.gather [hbm4b:s2+s13], $0x1, v2, vm0, $0x4038;
	[tilespmem:$0x10800] =	vst v63  }
0xd8: {  	v2 =	vadd.s32 $0xF42A00, v0;
	(ifvalue) =	ssetifvalue $0x7FFFFFFF  }
0xd9: {  	s22 =	sadd.s32 $0x4180, s21;
	(ifvalue) =	ssetifvalue $0x7FFFFFFF  }
0xda: {  	[tilespmem:s22], [sflag:$0x1] =	stream.indirect_vreg.gather [hbm4b:s2+s13], $0x1, v1, vm0, $0x4038;
	[tilespmem:$0x10800] =	vst v63  }
0xdb: {  	v1 =	vadd.s32 $0xF42A80, v0;
	(ifvalue) =	ssetifvalue $0x7FFFFFFF  }
0xdc: {  	s22 =	sadd.s32 $0x4200, s21;
	(ifvalue) =	ssetifvalue $0x7FFFFFFF  }
0xdd: {  	[tilespmem:s22], [sflag:$0x1] =	stream.indirect_vreg.gather [hbm4b:s2+s13], $0x1, v2, vm0, $0x4038;
	[tilespmem:$0x10800] =	vst v63  }
0xde: {  	v2 =	vadd.s32 $0xF42B00, v0;
	(ifvalue) =	ssetifvalue $0x7FFFFFFF  }
0xdf: {  	s22 =	sadd.s32 $0x4280, s21;
	(ifvalue) =	ssetifvalue $0x7FFFFFFF  }
0xe0: {  	[tilespmem:s22], [sflag:$0x1] =	stream.indirect_vreg.gather [hbm4b:s2+s13], $0x1, v1, vm0, $0x4038;
	[tilespmem:$0x10800] =	vst v63  }
0xe1: {  	v1 =	vadd.s32 $0xF42B80, v0;
	(ifvalue) =	ssetifvalue $0x7FFFFFFF  }
0xe2: {  	s22 =	sadd.s32 $0x4300, s21;
	(ifvalue) =	ssetifvalue $0x7FFFFFFF  }
0xe3: {  	[tilespmem:s22], [sflag:$0x1] =	stream.indirect_vreg.gather [hbm4b:s2+s13], $0x1, v2, vm0, $0x4038;
	[tilespmem:$0x10800] =	vst v63  }
0xe4: {  	v2 =	vadd.s32 $0x16E3C00, v0;
	(ifvalue) =	ssetifvalue $0x7FFFFFFF  }
0xe5: {  	s22 =	sadd.s32 $0x4380, s21;
	(ifvalue) =	ssetifvalue $0x7FFFFFFF  }
0xe6: {  	[tilespmem:s22], [sflag:$0x1] =	stream.indirect_vreg.gather [hbm4b:s2+s13], $0x1, v1, vm0, $0x4038;
	[tilespmem:$0x10800] =	vst v63  }
0xe7: {  	v1 =	vadd.s32 $0x16E3C80, v0;
	(ifvalue) =	ssetifvalue $0x7FFFFFFF  }
0xe8: {  	s22 =	sadd.s32 $0x6000, s21;
	(ifvalue) =	ssetifvalue $0x7FFFFFFF  }
0xe9: {  	[tilespmem:s22], [sflag:$0x1] =	stream.indirect_vreg.gather [hbm4b:s2+s13], $0x1, v2, vm0, $0x4038;
	[tilespmem:$0x10800] =	vst v63  }
0xea: {  	v2 =	vadd.s32 $0x16E3D00, v0;
	(ifvalue) =	ssetifvalue $0x7FFFFFFF  }
0xeb: {  	s22 =	sadd.s32 $0x6080, s21;
	(ifvalue) =	ssetifvalue $0x7FFFFFFF  }
0xec: {  	[tilespmem:s22], [sflag:$0x1] =	stream.indirect_vreg.gather [hbm4b:s2+s13], $0x1, v1, vm0, $0x4038;
	[tilespmem:$0x10800] =	vst v63  }
0xed: {  	v1 =	vadd.s32 $0x16E3D80, v0;
	(ifvalue) =	ssetifvalue $0x7FFFFFFF  }
0xee: {  	s22 =	sadd.s32 $0x6100, s21;
	(ifvalue) =	ssetifvalue $0x7FFFFFFF  }
0xef: {  	[tilespmem:s22], [sflag:$0x1] =	stream.indirect_vreg.gather [hbm4b:s2+s13], $0x1, v2, vm0, $0x4038;
	[tilespmem:$0x10800] =	vst v63  }
0xf0: {  	v2 =	vadd.s32 $0x16E3E00, v0;
	(ifvalue) =	ssetifvalue $0x7FFFFFFF  }
0xf1: {  	s22 =	sadd.s32 $0x6180, s21;
	(ifvalue) =	ssetifvalue $0x7FFFFFFF  }
0xf2: {  	[tilespmem:s22], [sflag:$0x1] =	stream.indirect_vreg.gather [hbm4b:s2+s13], $0x1, v1, vm0, $0x4038;
	[tilespmem:$0x10800] =	vst v63  }
0xf3: {  	v1 =	vadd.s32 $0x16E3E80, v0;
	(ifvalue) =	ssetifvalue $0x7FFFFFFF  }
0xf4: {  	s22 =	sadd.s32 $0x6200, s21;
	(ifvalue) =	ssetifvalue $0x7FFFFFFF  }
0xf5: {  	[tilespmem:s22], [sflag:$0x1] =	stream.indirect_vreg.gather [hbm4b:s2+s13], $0x1, v2, vm0, $0x4038;
	[tilespmem:$0x10800] =	vst v63  }
0xf6: {  	v2 =	vadd.s32 $0x16E3F00, v0;
	(ifvalue) =	ssetifvalue $0x7FFFFFFF  }
0xf7: {  	s22 =	sadd.s32 $0x6280, s21;
	(ifvalue) =	ssetifvalue $0x7FFFFFFF  }
0xf8: {  	[tilespmem:s22], [sflag:$0x1] =	stream.indirect_vreg.gather [hbm4b:s2+s13], $0x1, v1, vm0, $0x4038;
	[tilespmem:$0x10800] =	vst v63  }
.Ltmp3:
0xf9: {  	v0 =	vadd.s32 $0x16E3F80, v0;
	(ifvalue) =	ssetifvalue $0x7FFFFFFF;
	(pc) =	sbr.rel @p1 .LBB2_3-.Ltmp3, $4  }
0xfa: {  	s22 =	sadd.s32 $0x6300, s21;
	(ifvalue) =	ssetifvalue $0x7FFFFFFF  }
0xfb: {  	[tilespmem:s22], [sflag:$0x1] =	stream.indirect_vreg.gather [hbm4b:s2+s13], $0x1, v2, vm0, $0x4038;
	[tilespmem:$0x10800] =	vst v63  }
0xfc: {  	s19 =	sadd.s32 $0x10, s19;
	(ifvalue) =	ssetifvalue $0x7FFFFFFF  }
0xfd: {  	s20 =	sadd.s32 $0x80, s20;
	s21 =	sadd.s32 $0x6380, s21;
	(ifvalue) =	ssetifvalue $0x7FFFFFFF  }
.Ltmp4:
0xfe: {  	_ = 	snop;
	(pc) =	sbr.rel .LBB2_4-.Ltmp4, $1  }
0xff: {  	_ =	sdelay $0x3  }
.LBB2_6:
0x100: {  	_ =	sfence.sel $0x180000  }
0x101: {  	s2 =	simm.s32 $0x2;
	[bflag:$0x0] =	sbarrier.arrive $0xFFFF  }
0x102: {  	s30 =	simm.s32 $0x3;
	[sflag:s2] =	ssyncpa.u1 $0x1  }
0x103: {  	s31 =	simm.s32 $0x1;
	[sflag:s30] =	ssyncpa.u1 $0x1  }
0x104: {  	[sflag:s31] =	ssyncpa.u1 $0x1  }
0x105: {  	p0 =	sne.s32 s0, $0x0;
	_ =	strace $0x9000004A  }
0x106: {  	s0 =	sadd.s32 @!p0 $0x100000, s1;
	[bflag:$0x2] =	sbarrier.arrive $0xFFFF  }
0x107: {  	[sflag:s0] =	ssyncadd.tile.s32 @!p0 $0x1;
	_ =	shalt  }
.Lfunc_end2:
_tile_overlayer_lowered:
.L_overlay_start_2:
0x108: {  	(tag) =	ssettag $0x2  }
0x109: {  	s0 =	rddreg [dreg:$0x0];
	s2 =	stileid.u32  }
0x10a: {  	s1 =	rddreg [dreg:$0x1];
	p0 =	sne.s32 s2, $0x0  }
0x10b: {  	s3 =	rddreg [dreg:$0x2];
	[bflag:$0x3] =	sbarrier.arrive $0xFFFF;
	s2 =	simm.s32 @!p0 $0x1C01  }
0x10c: {  	[timem:s3], [sflag:s2] =	dma.local @!p0 [hbm:s0], s1  }
0x10d: {  	s0 =	simm.s32 @!p0 $0x1  }
0x10e: {  	_ =	swait.ge @!p0 [sflag:s0], s1  }
0x10f: {  	s1 =	ssub.s32 @!p0 $0x0, s1;
	[sflag:s0] =	ssyncset.done @!p0 $0x0  }
0x110: {  	[sflag:s0] =	ssyncadd.s32 @!p0 s1  }
0x111: {  	[bflag:$0x3] =	sbarrier.arrive $0xFFFF  }
0x112: {  	_ =	shalt  }

</sc_bundles>
